<compile_context>
chip_gen: v7x
topology: tpu7x:2x2x1
jax: 0.10.2.dev20260603
libtpu: 0.0.44.dev20260713+nightly
codegen_flags: <defaults>
</compile_context>

<pallas_src>
import jax
import jax.numpy as jnp
from jax.experimental import pallas as pl
from jax.experimental.pallas import tpu as pltpu
from jax.experimental.pallas import tpu_sc as plsc

_B = 512
_BATCH = 4096
_D_IN = 1024
_D_H = 2048
_D_LAT = 256
_N_CODES = 16384
_CTILE = 2048
_CHUNK_BOUNDS = (0, 4096, 8192, 12288, 16384)
_GW = 128


def _ln(h, g, be):
    mu = jnp.mean(h, axis=-1, keepdims=True)
    var = jnp.mean((h - mu) ** 2, axis=-1, keepdims=True)
    return (h - mu) / jnp.sqrt(var + 1e-5) * g + be


def _mlp_core(xb, W1_ref, b1_ref, g1_ref, be1_ref, W2_ref, b2_ref, g2_ref,
              be2_ref, W3_ref, b3_ref):
    h = jnp.dot(xb, W1_ref[...], preferred_element_type=jnp.float32) + b1_ref[...]
    h = jax.nn.relu(_ln(h, g1_ref[...], be1_ref[...]))
    h = jnp.dot(h.astype(jnp.bfloat16), W2_ref[...],
                preferred_element_type=jnp.float32) + b2_ref[...]
    h = jax.nn.relu(_ln(h, g2_ref[...], be2_ref[...]))
    return jnp.dot(h.astype(jnp.bfloat16), W3_ref[...],
                   preferred_element_type=jnp.float32) + b3_ref[...]



def _dist_body(z_ref, zsq_ref, csq_ref, cb_ref, idx_ref):
    z_sq = zsq_ref[...]
    zb = z_ref[...].astype(jnp.bfloat16)
    nch = len(_CHUNK_BOUNDS) - 1
    rm = [None] * nch
    ri = [None] * nch
    for c in range(nch):
        lo, hi = _CHUNK_BOUNDS[c], _CHUNK_BOUNDS[c + 1]
        w = hi - lo
        cbt = cb_ref[pl.ds(lo, w), :]
        mm = jax.lax.dot_general(zb, cbt, (((1,), (1,)), ((), ())),
                                 preferred_element_type=jnp.float32)
        seg = (z_sq + csq_ref[:, pl.ds(lo, w)]) - 2.0 * mm
        pm = jnp.min(seg, axis=1, keepdims=True)
        cols = jax.lax.broadcasted_iota(jnp.int32, (_B, w), 1).astype(jnp.float32)
        pa = jnp.min(jnp.where(seg == pm, cols, jnp.float32(3.0e38)),
                     axis=1, keepdims=True) + jnp.float32(lo)
        rm[c] = pm
        ri[c] = pa
    m = jnp.full((_B, 1), 3.0e38, jnp.float32)
    run_idx = jnp.zeros((_B, 1), jnp.float32)
    for c in range(nch):
        upd = rm[c] < m
        run_idx = jnp.where(upd, ri[c], run_idx)
        m = jnp.where(upd, rm[c].astype(jnp.bfloat16).astype(jnp.float32), m)
    idx_ref[...] = run_idx.astype(jnp.int32)


def _dist_argmin(z, z_sq, c_sq, codebook_bf16):
    return pl.pallas_call(
        _dist_body,
        grid=(_BATCH // _B,),
        in_specs=[
            pl.BlockSpec((_B, _D_LAT), lambda i: (i, 0)),
            pl.BlockSpec((_B, 1), lambda i: (i, 0)),
            pl.BlockSpec((1, _N_CODES), lambda i: (0, 0)),
            pl.BlockSpec((_N_CODES, _D_LAT), lambda i: (0, 0)),
        ],
        out_specs=pl.BlockSpec((_B, 1), lambda i: (i, 0)),
        out_shape=jax.ShapeDtypeStruct((_BATCH, 1), jnp.int32),
    )(z, z_sq, c_sq, codebook_bf16)



def _sc_gather(codebook, idx):
    idx2 = idx.reshape(1, _BATCH)
    mesh = plsc.VectorSubcoreMesh(core_axis_name="c", subcore_axis_name="s")

    @pl.kernel(out_type=jax.ShapeDtypeStruct((_BATCH, _D_LAT), jnp.float32),
               mesh=mesh)
    def gk(cb_hbm, i_hbm, o_hbm):
        def body(i_vmem, o_vmem):
            pltpu.sync_copy(cb_hbm.at[i_vmem.at[0]], o_vmem)

        pltpu.emit_pipeline(
            body,
            grid=(_BATCH // _GW,),
            in_specs=[pl.BlockSpec((1, _GW), lambda i: (0, i))],
            out_specs=[pl.BlockSpec((_GW, _D_LAT), lambda i: (i, 0))],
            core_axis_name=("c", "s"),
            dimension_semantics=(pltpu.PARALLEL,),
        )(i_hbm, o_hbm)

    return gk(codebook, idx2)



def _dec_body(z_ref, zq_ref, x_ref, W1, b1, g1, be1, W2, b2, g2, be2, W3, b3,
              recon_ref, vq_ref, rs_ref):
    z32 = z_ref[...]
    zq = zq_ref[...]
    zin = z32 + (zq - z32)
    d = z32 - zq
    vq_ref[...] = jnp.sum(d * d, axis=(0, 1), keepdims=True)[None, :, :]
    recon = _mlp_core(zin.astype(jnp.bfloat16),
                      W1, b1, g1, be1, W2, b2, g2, be2, W3, b3)
    recon_ref[...] = recon
    r = recon - x_ref[...]
    rs_ref[...] = jnp.sum(r * r, axis=(0, 1), keepdims=True)[None, :, :]


def _decoder(z, z_q, x, W1, b1, g1, be1, W2, b2, g2, be2, W3, b3):
    const = lambda i: (0, 0)
    row = lambda i: (i, 0)
    vec = pl.BlockSpec((1, _D_H), const)
    scal = pl.BlockSpec((1, 1, 1), lambda i: (i, 0, 0))
    return pl.pallas_call(
        _dec_body,
        grid=(_BATCH // _B,),
        in_specs=[
            pl.BlockSpec((_B, _D_LAT), row),
            pl.BlockSpec((_B, _D_LAT), row),
            pl.BlockSpec((_B, _D_IN), row),
            pl.BlockSpec((_D_LAT, _D_H), const), vec, vec, vec,
            pl.BlockSpec((_D_H, _D_H), const), vec, vec, vec,
            pl.BlockSpec((_D_H, _D_IN), const),
            pl.BlockSpec((1, _D_IN), const),
        ],
        out_specs=[
            pl.BlockSpec((_B, _D_IN), row),
            scal, scal,
        ],
        out_shape=[
            jax.ShapeDtypeStruct((_BATCH, _D_IN), jnp.float32),
            jax.ShapeDtypeStruct((_BATCH // _B, 1, 1), jnp.float32),
            jax.ShapeDtypeStruct((_BATCH // _B, 1, 1), jnp.float32),
        ],
    )(z, z_q, x, W1, b1, g1, be1, W2, b2, g2, be2, W3, b3)



def kernel(x, enc_W1, enc_b1, enc_g1, enc_be1, enc_W2, enc_b2, enc_g2,
           enc_be2, enc_W3, enc_b3, codebook, dec_W1, dec_b1, dec_g1, dec_be1,
           dec_W2, dec_b2, dec_g2, dec_be2, dec_W3, dec_b3):
    bf = jnp.bfloat16
    r2 = lambda a: a.reshape(1, -1)

    h = jax.nn.relu(_ln(x @ enc_W1 + enc_b1, enc_g1, enc_be1))
    h = jax.nn.relu(_ln(h @ enc_W2 + enc_b2, enc_g2, enc_be2))
    z = h @ enc_W3 + enc_b3
    z_sq = jnp.sum(z ** 2, axis=1, keepdims=True)
    c_sq = jnp.sum(codebook ** 2, axis=1).reshape(1, _N_CODES)

    idx2 = _dist_argmin(z, z_sq, c_sq, codebook.astype(bf))
    idx = idx2.reshape(_BATCH)
    z_q = _sc_gather(codebook, idx)
    recon, vq_p, rs_p = _decoder(
        z, z_q, x, dec_W1.astype(bf), r2(dec_b1), r2(dec_g1), r2(dec_be1),
        dec_W2.astype(bf), r2(dec_b2), r2(dec_g2), r2(dec_be2),
        dec_W3.astype(bf), r2(dec_b3))

    vq_m = jnp.sum(vq_p) / (_BATCH * _D_LAT)
    recon_loss = jnp.sum(rs_p) / (_BATCH * _D_IN)
    vq_loss = vq_m + 0.25 * vq_m
    total_loss = recon_loss + vq_loss
    return (recon, idx, total_loss, recon_loss)

# --- scband reference (transcript-rebuilt; emitter-appended) ---
"""Pipeline reference for scband-vqvae-51917564674218 (READ-ONLY COPY).

The authoritative reference and input builder live on the scoring server;
editing this copy changes nothing except your own understanding.
"""

import jax, jax.numpy as jnp
import numpy as np

BATCH = 4096
INPUT_DIM = 1024
HIDDEN = 2048
LAT_DIM = 256
NUM_CODES = 16384
BETA = 0.25


def _ln(x, g, b):
    mu = jnp.mean(x, axis=-1, keepdims=True)
    var = jnp.mean((x - mu) ** 2, axis=-1, keepdims=True)
    return (x - mu) / jnp.sqrt(var + 1e-5) * g + b


def _mlp(x, W1, b1, g1, be1, W2, b2, g2, be2, W3, b3):
    h = jax.nn.relu(_ln(x @ W1 + b1, g1, be1))
    h = jax.nn.relu(_ln(h @ W2 + b2, g2, be2))
    return h @ W3 + b3


def setup_inputs(seed: int = 0):
    key = jax.random.key(seed)
    ks = jax.random.split(key, 8)
    def lin(k, fi, fo):
        return (jax.random.normal(k, (fi, fo), jnp.float32) / jnp.sqrt(fi)).astype(jnp.float32)
    inp = {}
    inp['x'] = jax.random.normal(ks[0], (BATCH, INPUT_DIM), jnp.float32)
    inp['enc_W1'] = lin(ks[1], INPUT_DIM, HIDDEN)
    inp['enc_b1'] = jnp.zeros((HIDDEN,), jnp.float32)
    inp['enc_g1'] = jnp.ones((HIDDEN,), jnp.float32)
    inp['enc_be1'] = jnp.zeros((HIDDEN,), jnp.float32)
    inp['enc_W2'] = lin(ks[2], HIDDEN, HIDDEN)
    inp['enc_b2'] = jnp.zeros((HIDDEN,), jnp.float32)
    inp['enc_g2'] = jnp.ones((HIDDEN,), jnp.float32)
    inp['enc_be2'] = jnp.zeros((HIDDEN,), jnp.float32)
    inp['enc_W3'] = lin(ks[3], HIDDEN, LAT_DIM)
    inp['enc_b3'] = jnp.zeros((LAT_DIM,), jnp.float32)
    inp['codebook'] = (jax.random.normal(ks[4], (NUM_CODES, LAT_DIM), jnp.float32) * 0.1).astype(jnp.float32)
    inp['dec_W1'] = lin(ks[5], LAT_DIM, HIDDEN)
    inp['dec_b1'] = jnp.zeros((HIDDEN,), jnp.float32)
    inp['dec_g1'] = jnp.ones((HIDDEN,), jnp.float32)
    inp['dec_be1'] = jnp.zeros((HIDDEN,), jnp.float32)
    inp['dec_W2'] = lin(ks[6], HIDDEN, HIDDEN)
    inp['dec_b2'] = jnp.zeros((HIDDEN,), jnp.float32)
    inp['dec_g2'] = jnp.ones((HIDDEN,), jnp.float32)
    inp['dec_be2'] = jnp.zeros((HIDDEN,), jnp.float32)
    inp['dec_W3'] = lin(ks[7], HIDDEN, INPUT_DIM)
    inp['dec_b3'] = jnp.zeros((INPUT_DIM,), jnp.float32)
    return inp


def reference(x, enc_W1, enc_b1, enc_g1, enc_be1, enc_W2, enc_b2, enc_g2, enc_be2, enc_W3, enc_b3, codebook, dec_W1, dec_b1, dec_g1, dec_be1, dec_W2, dec_b2, dec_g2, dec_be2, dec_W3, dec_b3):
    z = _mlp(x, enc_W1, enc_b1, enc_g1, enc_be1, enc_W2, enc_b2, enc_g2, enc_be2, enc_W3, enc_b3)
    z_sq = jnp.sum(z ** 2, axis=1, keepdims=True)
    c_sq = jnp.sum(codebook ** 2, axis=1)
    dist = z_sq + c_sq[None, :] - 2.0 * (z @ codebook.T)
    idx = jnp.argmin(dist, axis=1)
    z_q = jnp.take(codebook, idx, axis=0)
    commitment_loss = jnp.mean((jax.lax.stop_gradient(z) - z_q) ** 2)
    codebook_loss = jnp.mean((z - jax.lax.stop_gradient(z_q)) ** 2)
    vq_loss = codebook_loss + BETA * commitment_loss
    z_q_st = z + jax.lax.stop_gradient(z_q - z)
    recon = _mlp(z_q_st, dec_W1, dec_b1, dec_g1, dec_be1, dec_W2, dec_b2, dec_g2, dec_be2, dec_W3, dec_b3)
    recon_loss = jnp.mean((recon - x) ** 2)
    total_loss = recon_loss + vq_loss
    return (recon, idx, total_loss, recon_loss)

if __name__ == "__main__":
    import jax
    _d = setup_inputs()
    print(jax.jit(kernel)(*tuple(_d.values())))

</pallas_src>

<mosaic_0001>
#map = affine_map<(d0, d1) -> (0, 0)>
module attributes {stable_mosaic.version = 14 : i64} {
  func.func @gk(%arg0: i32, %arg1: i32, %arg2: memref<16384x256xf32, #tpu.memory_space<hbm>>, %arg3: memref<1x4096xi32, #tpu.memory_space<hbm>>, %arg4: memref<4096x256xf32, #tpu.memory_space<hbm>>) attributes {dimension_semantics = [#tpu.dimension_semantics<core_parallel>, #tpu.dimension_semantics<subcore_parallel>], iteration_bounds = array<i64: 2, 16>, scalar_prefetch = 0 : i64, scratch_operands = 0 : i64, tpu.core_type = #tpu.core_type<sc_vector_subcore>, window_params = [{transform_indices = #map}, {transform_indices = #map}, {transform_indices = #map}]} {
    %mul3A = arith.constant 1 : i32
    %mul3A_0 = arith.muli %arg1, %mul3A : i32
    %add3A = arith.constant 0 : i32
    %add3A_1 = arith.addi %add3A, %mul3A_0 : i32
    %mul3A_2 = arith.constant 16 : i32
    %mul3A_3 = arith.muli %arg0, %mul3A_2 : i32
    %add3A_4 = arith.addi %add3A_1, %mul3A_3 : i32
    %mul3A_5 = arith.constant 1 : i32
    %mul3A_6 = arith.muli %add3A_4, %mul3A_5 : i32
    "tpu.region"() ({
      %run_scoped3A = memref.alloca() : memref<2x1x128xi32, #tpu.memory_space<vmem>>
      %run_scoped3A_7 = tpu.sem_alloc : memref<2x!tpu.dma_semaphore, #tpu.memory_space<semaphore_mem>>
      %run_scoped3A_8 = memref.alloca() : memref<2x128x256xf32, #tpu.memory_space<vmem>>
      %run_scoped3A_9 = tpu.sem_alloc : memref<2x!tpu.dma_semaphore, #tpu.memory_space<semaphore_mem>>
      %add3A_10 = arith.constant 0 : i32
      %add3A_11 = arith.addi %add3A_10, %mul3A_6 : i32
      %select_n3A = arith.constant true
      %select_n3A_12 = arith.constant 0 : i32
      %select_n3A_13 = arith.constant -1 : i32
      %select_n3A_14 = arith.select %select_n3A, %select_n3A_13, %select_n3A_12 : i32
      %eq3A = arith.constant -1 : i32
      %eq3A_15 = arith.cmpi eq, %select_n3A_14, %eq3A : i32
      %select_n3A_16 = arith.constant 0 : i32
      %select_n3A_17 = arith.select %eq3A_15, %select_n3A_16, %select_n3A_14 : i32
      %add3A_18 = arith.constant 0 : i32
      %add3A_19 = arith.addi %add3A_18, %mul3A_6 : i32
      %select_n3A_20 = arith.constant true
      %select_n3A_21 = arith.constant 0 : i32
      %select_n3A_22 = arith.constant 1 : i32
      %select_n3A_23 = arith.select %select_n3A_20, %select_n3A_22, %select_n3A_21 : i32
      %eq3A_24 = arith.constant 1 : i32
      %eq3A_25 = arith.cmpi eq, %select_n3A_23, %eq3A_24 : i32
      %select_n3A_26 = arith.constant 0 : i32
      %select_n3A_27 = arith.select %eq3A_25, %select_n3A_26, %select_n3A_23 : i32
      %add3A_28 = arith.constant 0 : i32
      %add3A_29 = arith.addi %add3A_28, %mul3A_6 : i32
      %select_n3A_30 = arith.constant true
      %select_n3A_31 = arith.constant 0 : i32
      %select_n3A_32 = arith.constant 1 : i32
      %select_n3A_33 = arith.select %select_n3A_30, %select_n3A_32, %select_n3A_31 : i32
      %eq3A_34 = arith.constant 1 : i32
      %eq3A_35 = arith.cmpi eq, %select_n3A_33, %eq3A_34 : i32
      %select_n3A_36 = arith.constant 0 : i32
      %select_n3A_37 = arith.select %eq3A_35, %select_n3A_36, %select_n3A_33 : i32
      %add3A_38 = arith.constant 0 : i32
      %add3A_39 = arith.addi %add3A_38, %mul3A_6 : i32
      "tpu.trace_start"() <{level = 10 : i32, message = "ep_initialize_0"}> : () -> ()
      %rem3A = arith.constant 0 : i32
      %rem3A_40 = arith.constant 2 : i32
      %rem3A_41 = arith.remui %rem3A, %rem3A_40 : i32
      %mul3A_42 = arith.constant 128 : i32
      %mul3A_43 = arith.muli %mul3A_42, %add3A_11 : i32
      %dma_start3A = arith.constant 0 : i32
      %dma_start3A_44 = arith.constant 0 : i32
      %dma_start3A_45 = tpu.memref_slice %run_scoped3A[%rem3A_41, %dma_start3A, %dma_start3A_44] : memref<2x1x128xi32, #tpu.memory_space<vmem>> -> memref<1x1x128xi32, #tpu.memory_space<vmem>>
      %dma_start3A_46 = tpu.memref_squeeze %dma_start3A_45 : memref<1x1x128xi32, #tpu.memory_space<vmem>> -> memref<1x128xi32, #tpu.memory_space<vmem>>
      %dma_start3A_47 = arith.constant 0 : i32
      %dma_start3A_48 = tpu.memref_slice %arg3[%dma_start3A_47, %mul3A_43] : memref<1x4096xi32, #tpu.memory_space<hbm>> -> memref<1x128xi32, #tpu.memory_space<hbm>>
      %dma_start3A_49 = tpu.memref_slice %run_scoped3A_7[%rem3A_41] : memref<2x!tpu.dma_semaphore, #tpu.memory_space<semaphore_mem>> -> memref<1x!tpu.dma_semaphore, #tpu.memory_space<semaphore_mem>>
      %dma_start3A_50 = tpu.memref_squeeze %dma_start3A_49 : memref<1x!tpu.dma_semaphore, #tpu.memory_space<semaphore_mem>> -> memref<!tpu.dma_semaphore, #tpu.memory_space<semaphore_mem>>
      %dma_start3A_51 = arith.constant 0 : i32
      %dma_start3A_52 = arith.constant 0 : i32
      %dma_start3A_53 = tpu.memref_slice %run_scoped3A[%rem3A_41, %dma_start3A_51, %dma_start3A_52] : memref<2x1x128xi32, #tpu.memory_space<vmem>> -> memref<1x1x128xi32, #tpu.memory_space<vmem>>
      %dma_start3A_54 = tpu.memref_squeeze %dma_start3A_53 : memref<1x1x128xi32, #tpu.memory_space<vmem>> -> memref<1x128xi32, #tpu.memory_space<vmem>>
      %dma_start3A_55 = arith.constant 0 : i32
      %dma_start3A_56 = tpu.memref_slice %arg3[%dma_start3A_55, %mul3A_43] : memref<1x4096xi32, #tpu.memory_space<hbm>> -> memref<1x128xi32, #tpu.memory_space<hbm>>
      tpu.enqueue_dma source(%dma_start3A_56 : memref<1x128xi32, #tpu.memory_space<hbm>>) target(%dma_start3A_54 : memref<1x128xi32, #tpu.memory_space<vmem>>) target_semaphore(%dma_start3A_50 : memref<!tpu.dma_semaphore, #tpu.memory_space<semaphore_mem>>)
      %add3A_57 = arith.constant 0 : i32
      %add3A_58 = arith.constant 1 : i32
      %add3A_59 = arith.addi %add3A_57, %add3A_58 : i32
      %select_n3A_60 = arith.constant true
      %select_n3A_61 = arith.constant 0 : i32
      %select_n3A_62 = arith.select %select_n3A_60, %add3A_59, %select_n3A_61 : i32
      "tpu.trace_stop"() : () -> ()
      %scan3A = arith.constant 0 : i32
      %scan3A_63 = arith.constant 0 : i32
      %scan3A_64 = arith.constant 0 : i32
      %scan3A_65 = arith.constant 0 : i32
      %scan3A_66 = arith.constant 0 : i32
      %eq3A_67 = arith.constant 0 : i32
      %eq3A_68 = arith.cmpi eq, %scan3A_66, %eq3A_67 : i32
      %eq3A_69 = arith.constant 0 : i32
      %eq3A_70 = arith.cmpi eq, %scan3A_66, %eq3A_69 : i32
      %add3A_71 = arith.constant 0 : i32
      %add3A_72 = arith.addi %add3A_71, %mul3A_6 : i32
      %select_n3A_73 = arith.constant true
      %select_n3A_74 = arith.constant 0 : i32
      %select_n3A_75 = arith.constant -1 : i32
      %select_n3A_76 = arith.select %select_n3A_73, %select_n3A_75, %select_n3A_74 : i32
      %eq3A_77 = arith.constant -1 : i32
      %eq3A_78 = arith.cmpi eq, %select_n3A_76, %eq3A_77 : i32
      %select_n3A_79 = arith.constant 0 : i32
      %select_n3A_80 = arith.select %eq3A_78, %select_n3A_79, %select_n3A_76 : i32
      %add3A_81 = arith.constant 0 : i32
      %add3A_82 = arith.addi %add3A_81, %mul3A_6 : i32
      %select_n3A_83 = arith.constant true
      %select_n3A_84 = arith.constant 0 : i32
      %select_n3A_85 = arith.constant 1 : i32
      %select_n3A_86 = arith.select %select_n3A_83, %select_n3A_85, %select_n3A_84 : i32
      %eq3A_87 = arith.constant 1 : i32
      %eq3A_88 = arith.cmpi eq, %select_n3A_86, %eq3A_87 : i32
      %select_n3A_89 = arith.constant 0 : i32
      %select_n3A_90 = arith.select %eq3A_88, %select_n3A_89, %select_n3A_86 : i32
      %add3A_91 = arith.constant 0 : i32
      %add3A_92 = arith.addi %add3A_91, %mul3A_6 : i32
      %select_n3A_93 = arith.constant true
      %select_n3A_94 = arith.constant 0 : i32
      %select_n3A_95 = arith.constant 1 : i32
      %select_n3A_96 = arith.select %select_n3A_93, %select_n3A_95, %select_n3A_94 : i32
      %eq3A_97 = arith.constant 1 : i32
      %eq3A_98 = arith.cmpi eq, %select_n3A_96, %eq3A_97 : i32
      %select_n3A_99 = arith.constant 0 : i32
      %select_n3A_100 = arith.select %eq3A_98, %select_n3A_99, %select_n3A_96 : i32
      %add3A_101 = arith.constant 0 : i32
      %add3A_102 = arith.addi %add3A_101, %mul3A_6 : i32
      %ne3A = arith.cmpi ne, %add3A_72, %add3A_92 : i32
      %or3A = arith.constant false
      %or3A_103 = arith.ori %or3A, %ne3A : i1
      %ge3A = arith.constant 0 : i32
      %ge3A_104 = arith.cmpi sge, %scan3A_66, %ge3A : i32
      %not3A = arith.constant true
      %not3A_105 = arith.xori %ge3A_104, %not3A : i1
      %and3A = arith.andi %or3A_103, %not3A_105 : i1
      %convert_element_type3A = arith.extui %and3A : i1 to i32
      %cond3A = arith.constant 0 : i32
      %cond3A_106 = arith.cmpi ne, %convert_element_type3A, %cond3A : i32
      scf.if %cond3A_106 {
        "tpu.trace_start"() <{level = 10 : i32, message = "ep_copy_in"}> : () -> ()
        %rem3A_266 = arith.constant 2 : i32
        %rem3A_267 = arith.remui %select_n3A_62, %rem3A_266 : i32
        %mul3A_268 = arith.constant 128 : i32
        %mul3A_269 = arith.muli %mul3A_268, %add3A_92 : i32
        %dma_start3A_270 = arith.constant 0 : i32
        %dma_start3A_271 = arith.constant 0 : i32
        %dma_start3A_272 = tpu.memref_slice %run_scoped3A[%rem3A_267, %dma_start3A_270, %dma_start3A_271] : memref<2x1x128xi32, #tpu.memory_space<vmem>> -> memref<1x1x128xi32, #tpu.memory_space<vmem>>
        %dma_start3A_273 = tpu.memref_squeeze %dma_start3A_272 : memref<1x1x128xi32, #tpu.memory_space<vmem>> -> memref<1x128xi32, #tpu.memory_space<vmem>>
        %dma_start3A_274 = arith.constant 0 : i32
        %dma_start3A_275 = tpu.memref_slice %arg3[%dma_start3A_274, %mul3A_269] : memref<1x4096xi32, #tpu.memory_space<hbm>> -> memref<1x128xi32, #tpu.memory_space<hbm>>
        %dma_start3A_276 = tpu.memref_slice %run_scoped3A_7[%rem3A_267] : memref<2x!tpu.dma_semaphore, #tpu.memory_space<semaphore_mem>> -> memref<1x!tpu.dma_semaphore, #tpu.memory_space<semaphore_mem>>
        %dma_start3A_277 = tpu.memref_squeeze %dma_start3A_276 : memref<1x!tpu.dma_semaphore, #tpu.memory_space<semaphore_mem>> -> memref<!tpu.dma_semaphore, #tpu.memory_space<semaphore_mem>>
        %dma_start3A_278 = arith.constant 0 : i32
        %dma_start3A_279 = arith.constant 0 : i32
        %dma_start3A_280 = tpu.memref_slice %run_scoped3A[%rem3A_267, %dma_start3A_278, %dma_start3A_279] : memref<2x1x128xi32, #tpu.memory_space<vmem>> -> memref<1x1x128xi32, #tpu.memory_space<vmem>>
        %dma_start3A_281 = tpu.memref_squeeze %dma_start3A_280 : memref<1x1x128xi32, #tpu.memory_space<vmem>> -> memref<1x128xi32, #tpu.memory_space<vmem>>
        %dma_start3A_282 = arith.constant 0 : i32
        %dma_start3A_283 = tpu.memref_slice %arg3[%dma_start3A_282, %mul3A_269] : memref<1x4096xi32, #tpu.memory_space<hbm>> -> memref<1x128xi32, #tpu.memory_space<hbm>>
        tpu.enqueue_dma source(%dma_start3A_283 : memref<1x128xi32, #tpu.memory_space<hbm>>) target(%dma_start3A_281 : memref<1x128xi32, #tpu.memory_space<vmem>>) target_semaphore(%dma_start3A_277 : memref<!tpu.dma_semaphore, #tpu.memory_space<semaphore_mem>>)
        "tpu.trace_stop"() : () -> ()
      } else {
      }
      %and3A_107 = arith.constant true
      %and3A_108 = arith.andi %and3A, %and3A_107 : i1
      %add3A_109 = arith.constant 1 : i32
      %add3A_110 = arith.addi %select_n3A_62, %add3A_109 : i32
      %select_n3A_111 = arith.select %and3A_108, %add3A_110, %select_n3A_62 : i32
      %ne3A_112 = arith.cmpi ne, %add3A_72, %add3A_92 : i32
      %or3A_113 = arith.constant false
      %or3A_114 = arith.ori %or3A_113, %ne3A_112 : i1
      %or3A_115 = arith.constant false
      %or3A_116 = arith.ori %or3A_114, %or3A_115 : i1
      %ge3A_117 = arith.constant 0 : i32
      %ge3A_118 = arith.cmpi sge, %scan3A_66, %ge3A_117 : i32
      %not3A_119 = arith.constant true
      %not3A_120 = arith.xori %ge3A_118, %not3A_119 : i1
      %and3A_121 = arith.andi %or3A_116, %not3A_120 : i1
      %ne3A_122 = arith.cmpi ne, %add3A_72, %add3A_82 : i32
      %or3A_123 = arith.constant false
      %or3A_124 = arith.ori %or3A_123, %ne3A_122 : i1
      %or3A_125 = arith.ori %or3A_124, %eq3A_68 : i1
      %convert_element_type3A_126 = arith.extui %or3A_125 : i1 to i32
      %cond3A_127 = arith.constant 0 : i32
      %cond3A_128 = arith.cmpi ne, %convert_element_type3A_126, %cond3A_127 : i32
      scf.if %cond3A_128 {
        "tpu.trace_start"() <{level = 10 : i32, message = "ep_wait_in"}> : () -> ()
        %mul3A_266 = arith.constant 128 : i32
        %mul3A_267 = arith.muli %mul3A_266, %add3A_72 : i32
        %rem3A_268 = arith.constant 2 : i32
        %rem3A_269 = arith.remui %scan3A, %rem3A_268 : i32
        %dma_wait3A_270 = arith.constant 0 : i32
        %dma_wait3A_271 = arith.constant 0 : i32
        %dma_wait3A_272 = tpu.memref_slice %run_scoped3A[%rem3A_269, %dma_wait3A_270, %dma_wait3A_271] : memref<2x1x128xi32, #tpu.memory_space<vmem>> -> memref<1x1x128xi32, #tpu.memory_space<vmem>>
        %dma_wait3A_273 = tpu.memref_squeeze %dma_wait3A_272 : memref<1x1x128xi32, #tpu.memory_space<vmem>> -> memref<1x128xi32, #tpu.memory_space<vmem>>
        %dma_wait3A_274 = arith.constant 0 : i32
        %dma_wait3A_275 = tpu.memref_slice %arg3[%dma_wait3A_274, %mul3A_267] : memref<1x4096xi32, #tpu.memory_space<hbm>> -> memref<1x128xi32, #tpu.memory_space<hbm>>
        %dma_wait3A_276 = tpu.memref_slice %run_scoped3A_7[%rem3A_269] : memref<2x!tpu.dma_semaphore, #tpu.memory_space<semaphore_mem>> -> memref<1x!tpu.dma_semaphore, #tpu.memory_space<semaphore_mem>>
        %dma_wait3A_277 = tpu.memref_squeeze %dma_wait3A_276 : memref<1x!tpu.dma_semaphore, #tpu.memory_space<semaphore_mem>> -> memref<!tpu.dma_semaphore, #tpu.memory_space<semaphore_mem>>
        %dma_wait3A_278 = arith.constant 0 : i32
        %dma_wait3A_279 = arith.constant 0 : i32
        %dma_wait3A_280 = tpu.memref_slice %run_scoped3A[%rem3A_269, %dma_wait3A_278, %dma_wait3A_279] : memref<2x1x128xi32, #tpu.memory_space<vmem>> -> memref<1x1x128xi32, #tpu.memory_space<vmem>>
        %dma_wait3A_281 = tpu.memref_squeeze %dma_wait3A_280 : memref<1x1x128xi32, #tpu.memory_space<vmem>> -> memref<1x128xi32, #tpu.memory_space<vmem>>
        %dma_wait3A_282 = arith.constant 0 : i32
        %dma_wait3A_283 = tpu.memref_slice %arg3[%dma_wait3A_282, %mul3A_267] : memref<1x4096xi32, #tpu.memory_space<hbm>> -> memref<1x128xi32, #tpu.memory_space<hbm>>
        tpu.wait_dma2 semaphore(%dma_wait3A_277 : memref<!tpu.dma_semaphore, #tpu.memory_space<semaphore_mem>>) src(%dma_wait3A_283 : memref<1x128xi32, #tpu.memory_space<hbm>>) dst(%dma_wait3A_281 : memref<1x128xi32, #tpu.memory_space<vmem>>)
        "tpu.trace_stop"() : () -> ()
      } else {
      }
      %ne3A_129 = arith.cmpi ne, %add3A_72, %add3A_82 : i32
      %or3A_130 = arith.constant false
      %or3A_131 = arith.ori %or3A_130, %ne3A_129 : i1
      %or3A_132 = arith.constant false
      %or3A_133 = arith.ori %or3A_131, %or3A_132 : i1
      %or3A_134 = arith.ori %or3A_133, %eq3A_68 : i1
      %convert_element_type3A_135 = arith.extui %or3A_134 : i1 to i32
      %cond3A_136 = arith.constant 0 : i32
      %cond3A_137 = arith.cmpi ne, %convert_element_type3A_135, %cond3A_136 : i32
      scf.if %cond3A_137 {
      } else {
      }
      %rem3A_138 = arith.constant 2 : i32
      %rem3A_139 = arith.remui %scan3A, %rem3A_138 : i32
      %rem3A_140 = arith.constant 2 : i32
      %rem3A_141 = arith.remui %scan3A_63, %rem3A_140 : i32
      %run_scoped3A_142 = arith.constant 0 : i32
      "tpu.trace_start"() <{level = 10 : i32, message = "ep_run_kernel"}> : () -> ()
      "tpu.region"() ({
        %run_scoped3A_266 = tpu.sem_alloc : memref<!tpu.dma_semaphore, #tpu.memory_space<semaphore_mem>>
        %dma_start3A_267 = arith.constant 0 : i32
        %dma_start3A_268 = arith.constant 0 : i32
        %dma_start3A_269 = tpu.memref_slice %run_scoped3A_8[%rem3A_141, %dma_start3A_267, %dma_start3A_268] : memref<2x128x256xf32, #tpu.memory_space<vmem>> -> memref<1x128x256xf32, #tpu.memory_space<vmem>>
        %dma_start3A_270 = tpu.memref_squeeze %dma_start3A_269 : memref<1x128x256xf32, #tpu.memory_space<vmem>> -> memref<128x256xf32, #tpu.memory_space<vmem>>
        %dma_start3A_271 = arith.constant 0 : i32
        %dma_start3A_272 = arith.constant 0 : i32
        %dma_start3A_273 = tpu.memref_slice %run_scoped3A[%rem3A_139, %dma_start3A_271, %dma_start3A_272] : memref<2x1x128xi32, #tpu.memory_space<vmem>> -> memref<1x1x128xi32, #tpu.memory_space<vmem>>
        %dma_start3A_274 = tpu.memref_squeeze %dma_start3A_273 : memref<1x1x128xi32, #tpu.memory_space<vmem>> -> memref<1x128xi32, #tpu.memory_space<vmem>>
        %dma_start3A_275 = arith.constant 0 : i32
        %dma_start3A_276 = tpu.memref_slice %dma_start3A_274[%run_scoped3A_142, %dma_start3A_275] : memref<1x128xi32, #tpu.memory_space<vmem>> -> memref<1x128xi32, #tpu.memory_space<vmem>>
        %dma_start3A_277 = tpu.memref_squeeze %dma_start3A_276 : memref<1x128xi32, #tpu.memory_space<vmem>> -> memref<128xi32, #tpu.memory_space<vmem>>
        %dma_start3A_278 = arith.constant 0 : i32
        %dma_start3A_279 = arith.constant 0 : i32
        %dma_start3A_280 = tpu.memref_slice %arg2[%dma_start3A_278, %dma_start3A_279] : memref<16384x256xf32, #tpu.memory_space<hbm>> -> memref<16384x256xf32, #tpu.memory_space<hbm>>
        tpu.enqueue_indirect_dma source(%dma_start3A_280 : memref<16384x256xf32, #tpu.memory_space<hbm>>) target(%dma_start3A_270 : memref<128x256xf32, #tpu.memory_space<vmem>>) offsets(%dma_start3A_277 : memref<128xi32, #tpu.memory_space<vmem>>) semaphore(%run_scoped3A_266 : memref<!tpu.dma_semaphore, #tpu.memory_space<semaphore_mem>>)
        %dma_wait3A_281 = arith.constant 0 : i32
        %dma_wait3A_282 = arith.constant 0 : i32
        %dma_wait3A_283 = tpu.memref_slice %run_scoped3A_8[%rem3A_141, %dma_wait3A_281, %dma_wait3A_282] : memref<2x128x256xf32, #tpu.memory_space<vmem>> -> memref<1x128x256xf32, #tpu.memory_space<vmem>>
        %dma_wait3A_284 = tpu.memref_squeeze %dma_wait3A_283 : memref<1x128x256xf32, #tpu.memory_space<vmem>> -> memref<128x256xf32, #tpu.memory_space<vmem>>
        %dma_wait3A_285 = arith.constant 0 : i32
        %dma_wait3A_286 = arith.constant 0 : i32
        %dma_wait3A_287 = tpu.memref_slice %run_scoped3A[%rem3A_139, %dma_wait3A_285, %dma_wait3A_286] : memref<2x1x128xi32, #tpu.memory_space<vmem>> -> memref<1x1x128xi32, #tpu.memory_space<vmem>>
        %dma_wait3A_288 = tpu.memref_squeeze %dma_wait3A_287 : memref<1x1x128xi32, #tpu.memory_space<vmem>> -> memref<1x128xi32, #tpu.memory_space<vmem>>
        %dma_wait3A_289 = arith.constant 0 : i32
        %dma_wait3A_290 = tpu.memref_slice %dma_wait3A_288[%run_scoped3A_142, %dma_wait3A_289] : memref<1x128xi32, #tpu.memory_space<vmem>> -> memref<1x128xi32, #tpu.memory_space<vmem>>
        %dma_wait3A_291 = tpu.memref_squeeze %dma_wait3A_290 : memref<1x128xi32, #tpu.memory_space<vmem>> -> memref<128xi32, #tpu.memory_space<vmem>>
        %dma_wait3A_292 = arith.constant 0 : i32
        %dma_wait3A_293 = arith.constant 0 : i32
        %dma_wait3A_294 = tpu.memref_slice %arg2[%dma_wait3A_292, %dma_wait3A_293] : memref<16384x256xf32, #tpu.memory_space<hbm>> -> memref<16384x256xf32, #tpu.memory_space<hbm>>
        tpu.wait_indirect_dma semaphore(%run_scoped3A_266 : memref<!tpu.dma_semaphore, #tpu.memory_space<semaphore_mem>>) src(%dma_wait3A_294 : memref<16384x256xf32, #tpu.memory_space<hbm>>) dst(%dma_wait3A_284 : memref<128x256xf32, #tpu.memory_space<vmem>>)
        tpu.yield
      }) : () -> ()
      "tpu.trace_stop"() : () -> ()
      %ne3A_143 = arith.cmpi ne, %add3A_72, %add3A_92 : i32
      %or3A_144 = arith.constant false
      %or3A_145 = arith.ori %or3A_144, %ne3A_143 : i1
      %or3A_146 = arith.ori %or3A_145, %eq3A_70 : i1
      %convert_element_type3A_147 = arith.extui %or3A_146 : i1 to i32
      %cond3A_148 = arith.constant 0 : i32
      %cond3A_149 = arith.cmpi ne, %convert_element_type3A_147, %cond3A_148 : i32
      scf.if %cond3A_149 {
      } else {
      }
      %and3A_150 = arith.constant false
      %and3A_151 = arith.andi %or3A_146, %and3A_150 : i1
      %ne3A_152 = arith.cmpi ne, %add3A_72, %add3A_92 : i32
      %or3A_153 = arith.constant false
      %or3A_154 = arith.ori %or3A_153, %ne3A_152 : i1
      %or3A_155 = arith.constant false
      %or3A_156 = arith.ori %or3A_154, %or3A_155 : i1
      %or3A_157 = arith.ori %or3A_156, %eq3A_70 : i1
      %convert_element_type3A_158 = arith.extui %or3A_157 : i1 to i32
      %cond3A_159 = arith.constant 0 : i32
      %cond3A_160 = arith.cmpi ne, %convert_element_type3A_158, %cond3A_159 : i32
      scf.if %cond3A_160 {
        "tpu.trace_start"() <{level = 10 : i32, message = "ep_copy_out"}> : () -> ()
        %rem3A_266 = arith.constant 2 : i32
        %rem3A_267 = arith.remui %scan3A_63, %rem3A_266 : i32
        %mul3A_268 = arith.constant 128 : i32
        %mul3A_269 = arith.muli %mul3A_268, %add3A_72 : i32
        %dma_start3A_270 = arith.constant 0 : i32
        %dma_start3A_271 = arith.constant 0 : i32
        %dma_start3A_272 = tpu.memref_slice %run_scoped3A_8[%rem3A_267, %dma_start3A_270, %dma_start3A_271] : memref<2x128x256xf32, #tpu.memory_space<vmem>> -> memref<1x128x256xf32, #tpu.memory_space<vmem>>
        %dma_start3A_273 = tpu.memref_squeeze %dma_start3A_272 : memref<1x128x256xf32, #tpu.memory_space<vmem>> -> memref<128x256xf32, #tpu.memory_space<vmem>>
        %dma_start3A_274 = arith.constant 0 : i32
        %dma_start3A_275 = tpu.memref_slice %arg4[%mul3A_269, %dma_start3A_274] : memref<4096x256xf32, #tpu.memory_space<hbm>> -> memref<128x256xf32, #tpu.memory_space<hbm>>
        %dma_start3A_276 = tpu.memref_slice %run_scoped3A_9[%rem3A_267] : memref<2x!tpu.dma_semaphore, #tpu.memory_space<semaphore_mem>> -> memref<1x!tpu.dma_semaphore, #tpu.memory_space<semaphore_mem>>
        %dma_start3A_277 = tpu.memref_squeeze %dma_start3A_276 : memref<1x!tpu.dma_semaphore, #tpu.memory_space<semaphore_mem>> -> memref<!tpu.dma_semaphore, #tpu.memory_space<semaphore_mem>>
        %dma_start3A_278 = arith.constant 0 : i32
        %dma_start3A_279 = tpu.memref_slice %arg4[%mul3A_269, %dma_start3A_278] : memref<4096x256xf32, #tpu.memory_space<hbm>> -> memref<128x256xf32, #tpu.memory_space<hbm>>
        %dma_start3A_280 = arith.constant 0 : i32
        %dma_start3A_281 = arith.constant 0 : i32
        %dma_start3A_282 = tpu.memref_slice %run_scoped3A_8[%rem3A_267, %dma_start3A_280, %dma_start3A_281] : memref<2x128x256xf32, #tpu.memory_space<vmem>> -> memref<1x128x256xf32, #tpu.memory_space<vmem>>
        %dma_start3A_283 = tpu.memref_squeeze %dma_start3A_282 : memref<1x128x256xf32, #tpu.memory_space<vmem>> -> memref<128x256xf32, #tpu.memory_space<vmem>>
        tpu.enqueue_dma source(%dma_start3A_283 : memref<128x256xf32, #tpu.memory_space<vmem>>) target(%dma_start3A_279 : memref<128x256xf32, #tpu.memory_space<hbm>>) target_semaphore(%dma_start3A_277 : memref<!tpu.dma_semaphore, #tpu.memory_space<semaphore_mem>>)
        "tpu.trace_stop"() : () -> ()
      } else {
      }
      %and3A_161 = arith.constant true
      %and3A_162 = arith.andi %or3A_157, %and3A_161 : i1
      %add3A_163 = arith.constant 1 : i32
      %add3A_164 = arith.addi %scan3A_63, %add3A_163 : i32
      %select_n3A_165 = arith.select %and3A_162, %add3A_164, %scan3A_63 : i32
      %ne3A_166 = arith.cmpi ne, %add3A_72, %add3A_82 : i32
      %or3A_167 = arith.constant false
      %or3A_168 = arith.ori %or3A_167, %ne3A_166 : i1
      %not3A_169 = arith.constant true
      %not3A_170 = arith.xori %eq3A_68, %not3A_169 : i1
      %and3A_171 = arith.andi %or3A_168, %not3A_170 : i1
      %convert_element_type3A_172 = arith.extui %and3A_171 : i1 to i32
      %cond3A_173 = arith.constant 0 : i32
      %cond3A_174 = arith.cmpi ne, %convert_element_type3A_172, %cond3A_173 : i32
      scf.if %cond3A_174 {
      } else {
      }
      %and3A_175 = arith.constant false
      %and3A_176 = arith.andi %and3A_171, %and3A_175 : i1
      %ne3A_177 = arith.cmpi ne, %add3A_72, %add3A_82 : i32
      %or3A_178 = arith.constant false
      %or3A_179 = arith.ori %or3A_178, %ne3A_177 : i1
      %or3A_180 = arith.constant false
      %or3A_181 = arith.ori %or3A_179, %or3A_180 : i1
      %not3A_182 = arith.constant true
      %not3A_183 = arith.xori %eq3A_68, %not3A_182 : i1
      %and3A_184 = arith.andi %or3A_181, %not3A_183 : i1
      %convert_element_type3A_185 = arith.extui %and3A_184 : i1 to i32
      %cond3A_186 = arith.constant 0 : i32
      %cond3A_187 = arith.cmpi ne, %convert_element_type3A_185, %cond3A_186 : i32
      scf.if %cond3A_187 {
        "tpu.trace_start"() <{level = 10 : i32, message = "ep_wait_out"}> : () -> ()
        %rem3A_266 = arith.constant 2 : i32
        %rem3A_267 = arith.remui %scan3A_64, %rem3A_266 : i32
        %mul3A_268 = arith.constant 128 : i32
        %mul3A_269 = arith.muli %mul3A_268, %add3A_82 : i32
        %dma_wait3A_270 = arith.constant 0 : i32
        %dma_wait3A_271 = arith.constant 0 : i32
        %dma_wait3A_272 = tpu.memref_slice %run_scoped3A_8[%rem3A_267, %dma_wait3A_270, %dma_wait3A_271] : memref<2x128x256xf32, #tpu.memory_space<vmem>> -> memref<1x128x256xf32, #tpu.memory_space<vmem>>
        %dma_wait3A_273 = tpu.memref_squeeze %dma_wait3A_272 : memref<1x128x256xf32, #tpu.memory_space<vmem>> -> memref<128x256xf32, #tpu.memory_space<vmem>>
        %dma_wait3A_274 = arith.constant 0 : i32
        %dma_wait3A_275 = tpu.memref_slice %arg4[%mul3A_269, %dma_wait3A_274] : memref<4096x256xf32, #tpu.memory_space<hbm>> -> memref<128x256xf32, #tpu.memory_space<hbm>>
        %dma_wait3A_276 = tpu.memref_slice %run_scoped3A_9[%rem3A_267] : memref<2x!tpu.dma_semaphore, #tpu.memory_space<semaphore_mem>> -> memref<1x!tpu.dma_semaphore, #tpu.memory_space<semaphore_mem>>
        %dma_wait3A_277 = tpu.memref_squeeze %dma_wait3A_276 : memref<1x!tpu.dma_semaphore, #tpu.memory_space<semaphore_mem>> -> memref<!tpu.dma_semaphore, #tpu.memory_space<semaphore_mem>>
        %dma_wait3A_278 = arith.constant 0 : i32
        %dma_wait3A_279 = tpu.memref_slice %arg4[%mul3A_269, %dma_wait3A_278] : memref<4096x256xf32, #tpu.memory_space<hbm>> -> memref<128x256xf32, #tpu.memory_space<hbm>>
        %dma_wait3A_280 = arith.constant 0 : i32
        %dma_wait3A_281 = arith.constant 0 : i32
        %dma_wait3A_282 = tpu.memref_slice %run_scoped3A_8[%rem3A_267, %dma_wait3A_280, %dma_wait3A_281] : memref<2x128x256xf32, #tpu.memory_space<vmem>> -> memref<1x128x256xf32, #tpu.memory_space<vmem>>
        %dma_wait3A_283 = tpu.memref_squeeze %dma_wait3A_282 : memref<1x128x256xf32, #tpu.memory_space<vmem>> -> memref<128x256xf32, #tpu.memory_space<vmem>>
        tpu.wait_dma2 semaphore(%dma_wait3A_277 : memref<!tpu.dma_semaphore, #tpu.memory_space<semaphore_mem>>) src(%dma_wait3A_283 : memref<128x256xf32, #tpu.memory_space<vmem>>) dst(%dma_wait3A_279 : memref<128x256xf32, #tpu.memory_space<hbm>>)
        "tpu.trace_stop"() : () -> ()
      } else {
      }
      %and3A_188 = arith.constant true
      %and3A_189 = arith.andi %and3A_184, %and3A_188 : i1
      %add3A_190 = arith.constant 1 : i32
      %add3A_191 = arith.addi %scan3A_64, %add3A_190 : i32
      %select_n3A_192 = arith.select %and3A_189, %add3A_191, %scan3A_64 : i32
      %ne3A_193 = arith.cmpi ne, %add3A_72, %add3A_92 : i32
      %or3A_194 = arith.constant false
      %or3A_195 = arith.ori %or3A_194, %ne3A_193 : i1
      %or3A_196 = arith.ori %or3A_195, %eq3A_70 : i1
      %add3A_197 = arith.constant 1 : i32
      %add3A_198 = arith.addi %scan3A, %add3A_197 : i32
      %select_n3A_199 = arith.select %or3A_196, %add3A_198, %scan3A : i32
      %select_n3A_200 = arith.constant true
      %select_n3A_201 = arith.constant 0 : i32
      %select_n3A_202 = arith.constant 1 : i32
      %select_n3A_203 = arith.select %select_n3A_200, %select_n3A_202, %select_n3A_201 : i32
      %eq3A_204 = arith.constant 1 : i32
      %eq3A_205 = arith.cmpi eq, %select_n3A_203, %eq3A_204 : i32
      %select_n3A_206 = arith.constant 0 : i32
      %select_n3A_207 = arith.select %eq3A_205, %select_n3A_206, %select_n3A_203 : i32
      %scan3A_208 = arith.constant 0 : i32
      %scan3A_209 = arith.constant 1 : i32
      %sub3A = arith.constant 1 : i32
      %sub3A_210 = arith.subi %scan3A_208, %sub3A : i32
      %select_n3A_211 = arith.constant true
      %select_n3A_212 = arith.select %select_n3A_211, %sub3A_210, %scan3A_208 : i32
      %eq3A_213 = arith.constant -1 : i32
      %eq3A_214 = arith.cmpi eq, %select_n3A_212, %eq3A_213 : i32
      %select_n3A_215 = arith.constant 0 : i32
      %select_n3A_216 = arith.select %eq3A_214, %select_n3A_215, %select_n3A_212 : i32
      %add3A_217 = arith.constant 0 : i32
      %add3A_218 = arith.addi %add3A_217, %mul3A_6 : i32
      %select_n3A_219 = arith.constant true
      %select_n3A_220 = arith.constant 0 : i32
      %select_n3A_221 = arith.constant -1 : i32
      %select_n3A_222 = arith.select %select_n3A_219, %select_n3A_221, %select_n3A_220 : i32
      %eq3A_223 = arith.constant -1 : i32
      %eq3A_224 = arith.cmpi eq, %select_n3A_222, %eq3A_223 : i32
      %select_n3A_225 = arith.constant 0 : i32
      %select_n3A_226 = arith.select %eq3A_224, %select_n3A_225, %select_n3A_222 : i32
      %add3A_227 = arith.constant 0 : i32
      %add3A_228 = arith.addi %add3A_227, %mul3A_6 : i32
      %select_n3A_229 = arith.constant true
      %select_n3A_230 = arith.constant 0 : i32
      %select_n3A_231 = arith.constant 1 : i32
      %select_n3A_232 = arith.select %select_n3A_229, %select_n3A_231, %select_n3A_230 : i32
      %eq3A_233 = arith.constant 1 : i32
      %eq3A_234 = arith.cmpi eq, %select_n3A_232, %eq3A_233 : i32
      %select_n3A_235 = arith.constant 0 : i32
      %select_n3A_236 = arith.select %eq3A_234, %select_n3A_235, %select_n3A_232 : i32
      %add3A_237 = arith.constant 0 : i32
      %add3A_238 = arith.addi %add3A_237, %mul3A_6 : i32
      %select_n3A_239 = arith.constant true
      %select_n3A_240 = arith.constant 0 : i32
      %select_n3A_241 = arith.constant 1 : i32
      %select_n3A_242 = arith.select %select_n3A_239, %select_n3A_241, %select_n3A_240 : i32
      %eq3A_243 = arith.constant 1 : i32
      %eq3A_244 = arith.cmpi eq, %select_n3A_242, %eq3A_243 : i32
      %select_n3A_245 = arith.constant 0 : i32
      %select_n3A_246 = arith.select %eq3A_244, %select_n3A_245, %select_n3A_242 : i32
      %add3A_247 = arith.constant 0 : i32
      %add3A_248 = arith.addi %add3A_247, %mul3A_6 : i32
      "tpu.trace_start"() <{level = 10 : i32, message = "ep_finalize"}> : () -> ()
      %rem3A_249 = arith.constant 2 : i32
      %rem3A_250 = arith.remui %select_n3A_192, %rem3A_249 : i32
      %mul3A_251 = arith.constant 128 : i32
      %mul3A_252 = arith.muli %mul3A_251, %add3A_218 : i32
      %dma_wait3A = arith.constant 0 : i32
      %dma_wait3A_253 = arith.constant 0 : i32
      %dma_wait3A_254 = tpu.memref_slice %run_scoped3A_8[%rem3A_250, %dma_wait3A, %dma_wait3A_253] : memref<2x128x256xf32, #tpu.memory_space<vmem>> -> memref<1x128x256xf32, #tpu.memory_space<vmem>>
      %dma_wait3A_255 = tpu.memref_squeeze %dma_wait3A_254 : memref<1x128x256xf32, #tpu.memory_space<vmem>> -> memref<128x256xf32, #tpu.memory_space<vmem>>
      %dma_wait3A_256 = arith.constant 0 : i32
      %dma_wait3A_257 = tpu.memref_slice %arg4[%mul3A_252, %dma_wait3A_256] : memref<4096x256xf32, #tpu.memory_space<hbm>> -> memref<128x256xf32, #tpu.memory_space<hbm>>
      %dma_wait3A_258 = tpu.memref_slice %run_scoped3A_9[%rem3A_250] : memref<2x!tpu.dma_semaphore, #tpu.memory_space<semaphore_mem>> -> memref<1x!tpu.dma_semaphore, #tpu.memory_space<semaphore_mem>>
      %dma_wait3A_259 = tpu.memref_squeeze %dma_wait3A_258 : memref<1x!tpu.dma_semaphore, #tpu.memory_space<semaphore_mem>> -> memref<!tpu.dma_semaphore, #tpu.memory_space<semaphore_mem>>
      %dma_wait3A_260 = arith.constant 0 : i32
      %dma_wait3A_261 = tpu.memref_slice %arg4[%mul3A_252, %dma_wait3A_260] : memref<4096x256xf32, #tpu.memory_space<hbm>> -> memref<128x256xf32, #tpu.memory_space<hbm>>
      %dma_wait3A_262 = arith.constant 0 : i32
      %dma_wait3A_263 = arith.constant 0 : i32
      %dma_wait3A_264 = tpu.memref_slice %run_scoped3A_8[%rem3A_250, %dma_wait3A_262, %dma_wait3A_263] : memref<2x128x256xf32, #tpu.memory_space<vmem>> -> memref<1x128x256xf32, #tpu.memory_space<vmem>>
      %dma_wait3A_265 = tpu.memref_squeeze %dma_wait3A_264 : memref<1x128x256xf32, #tpu.memory_space<vmem>> -> memref<128x256xf32, #tpu.memory_space<vmem>>
      tpu.wait_dma2 semaphore(%dma_wait3A_259 : memref<!tpu.dma_semaphore, #tpu.memory_space<semaphore_mem>>) src(%dma_wait3A_265 : memref<128x256xf32, #tpu.memory_space<vmem>>) dst(%dma_wait3A_261 : memref<128x256xf32, #tpu.memory_space<hbm>>)
      "tpu.trace_stop"() : () -> ()
      tpu.yield
    }) : () -> ()
    return
  }
}

module attributes {stable_mosaic.version = 14 : i64} {
  func.func @_dist_body(%arg0: i32, %arg1: memref<512x256xf32, #tpu.memory_space<vmem>>, %arg2: memref<512x1xf32, #tpu.memory_space<vmem>>, %arg3: memref<1x16384xf32, #tpu.memory_space<vmem>>, %arg4: memref<16384x256xbf16, #tpu.memory_space<vmem>>, %arg5: memref<512x1xi32, #tpu.memory_space<vmem>>) attributes {dimension_semantics = [#tpu.dimension_semantics<arbitrary>], iteration_bounds = array<i64: 8>, scalar_prefetch = 0 : i64, scratch_operands = 0 : i64, tpu.core_type = #tpu.core_type<tc>, window_params = [{transform_indices = @transform_0, window_bounds = array<i64: 512, 256>}, {transform_indices = @transform_1, window_bounds = array<i64: 512, 1>}, {pipeline_mode = #tpu.pipeline_mode<synchronous>, transform_indices = @transform_2, window_bounds = array<i64: 1, 16384>}, {pipeline_mode = #tpu.pipeline_mode<synchronous>, transform_indices = @transform_3, window_bounds = array<i64: 16384, 256>}, {transform_indices = @transform_4, window_bounds = array<i64: 512, 1>}]} {
    %get3A = arith.constant 0 : index
    %get3A_0 = arith.constant 0 : index
    %get3A_1 = vector.load %arg2[%get3A, %get3A_0] : memref<512x1xf32, #tpu.memory_space<vmem>>, vector<512x1xf32>
    %get3A_2 = arith.constant 0 : index
    %get3A_3 = arith.constant 0 : index
    %get3A_4 = vector.load %arg1[%get3A_2, %get3A_3] : memref<512x256xf32, #tpu.memory_space<vmem>>, vector<512x256xf32>
    %convert_element_type3A = arith.truncf %get3A_4 : vector<512x256xf32> to vector<512x256xbf16>
    %get3A_5 = arith.constant 0 : index
    %get3A_6 = arith.constant 0 : index
    %get3A_7 = vector.load %arg4[%get3A_5, %get3A_6] : memref<16384x256xbf16, #tpu.memory_space<vmem>>, vector<4096x256xbf16>
    %dot_general3A = arith.constant dense<0.000000e+00> : vector<512x4096xf32>
    %dot_general3A_8 = tpu.matmul %convert_element_type3A, %get3A_7, %dot_general3A {dimension_numbers = #tpu.dot_dimension_numbers<[1], [1], [0], [0], [0, 0, 1, 0], [], []>, transpose_lhs_hint = false} : vector<512x256xbf16>, vector<4096x256xbf16>, vector<512x4096xf32> -> vector<512x4096xf32>
    %get3A_9 = arith.constant 0 : index
    %get3A_10 = arith.constant 0 : index
    %get3A_11 = vector.load %arg3[%get3A_9, %get3A_10] : memref<1x16384xf32, #tpu.memory_space<vmem>>, vector<1x4096xf32>
    %add3A = vector.broadcast %get3A_1 : vector<512x1xf32> to vector<512x4096xf32>
    %add3A_12 = vector.broadcast %get3A_11 : vector<1x4096xf32> to vector<512x4096xf32>
    %add3A_13 = arith.addf %add3A, %add3A_12 : vector<512x4096xf32>
    %mul3A = arith.constant 2.000000e+00 : f32
    %mul3A_14 = vector.broadcast %mul3A : f32 to vector<512x4096xf32>
    %mul3A_15 = arith.mulf %mul3A_14, %dot_general3A_8 : vector<512x4096xf32>
    %sub3A = arith.subf %add3A_13, %mul3A_15 : vector<512x4096xf32>
    %reduce_min3A = arith.constant dense<0x7F800000> : vector<512xf32>
    %reduce_min3A_16 = vector.multi_reduction <minimumf>, %sub3A, %reduce_min3A [1] : vector<512x4096xf32> to vector<512xf32>
    %broadcast_in_dim3A = vector.shape_cast %reduce_min3A_16 : vector<512xf32> to vector<512x1xf32>
    %iota3A = tpu.iota {dimensions = array<i32: 1>} : vector<512x4096xi32>
    %convert_element_type3A_17 = arith.sitofp %iota3A : vector<512x4096xi32> to vector<512x4096xf32>
    %eq3A = vector.broadcast %broadcast_in_dim3A : vector<512x1xf32> to vector<512x4096xf32>
    %eq3A_18 = arith.cmpf oeq, %sub3A, %eq3A : vector<512x4096xf32>
    %jit3A = arith.constant 3.000000e+38 : f32
    %broadcast_in_dim3A_19 = vector.broadcast %jit3A : f32 to vector<512x4096xf32>
    %select_n3A = arith.select %eq3A_18, %convert_element_type3A_17, %broadcast_in_dim3A_19 : vector<512x4096xi1>, vector<512x4096xf32>
    %reduce_min3A_20 = arith.constant dense<0x7F800000> : vector<512xf32>
    %reduce_min3A_21 = vector.multi_reduction <minimumf>, %select_n3A, %reduce_min3A_20 [1] : vector<512x4096xf32> to vector<512xf32>
    %broadcast_in_dim3A_22 = vector.shape_cast %reduce_min3A_21 : vector<512xf32> to vector<512x1xf32>
    %add3A_23 = arith.constant 0.000000e+00 : f32
    %add3A_24 = vector.broadcast %add3A_23 : f32 to vector<512x1xf32>
    %add3A_25 = arith.addf %broadcast_in_dim3A_22, %add3A_24 : vector<512x1xf32>
    %get3A_26 = arith.constant 4096 : index
    %get3A_27 = arith.constant 0 : index
    %get3A_28 = vector.load %arg4[%get3A_26, %get3A_27] : memref<16384x256xbf16, #tpu.memory_space<vmem>>, vector<4096x256xbf16>
    %dot_general3A_29 = arith.constant dense<0.000000e+00> : vector<512x4096xf32>
    %dot_general3A_30 = tpu.matmul %convert_element_type3A, %get3A_28, %dot_general3A_29 {dimension_numbers = #tpu.dot_dimension_numbers<[1], [1], [0], [0], [0, 0, 1, 0], [], []>, transpose_lhs_hint = false} : vector<512x256xbf16>, vector<4096x256xbf16>, vector<512x4096xf32> -> vector<512x4096xf32>
    %get3A_31 = arith.constant 0 : index
    %get3A_32 = arith.constant 4096 : index
    %get3A_33 = vector.load %arg3[%get3A_31, %get3A_32] : memref<1x16384xf32, #tpu.memory_space<vmem>>, vector<1x4096xf32>
    %add3A_34 = vector.broadcast %get3A_1 : vector<512x1xf32> to vector<512x4096xf32>
    %add3A_35 = vector.broadcast %get3A_33 : vector<1x4096xf32> to vector<512x4096xf32>
    %add3A_36 = arith.addf %add3A_34, %add3A_35 : vector<512x4096xf32>
    %mul3A_37 = arith.constant 2.000000e+00 : f32
    %mul3A_38 = vector.broadcast %mul3A_37 : f32 to vector<512x4096xf32>
    %mul3A_39 = arith.mulf %mul3A_38, %dot_general3A_30 : vector<512x4096xf32>
    %sub3A_40 = arith.subf %add3A_36, %mul3A_39 : vector<512x4096xf32>
    %reduce_min3A_41 = arith.constant dense<0x7F800000> : vector<512xf32>
    %reduce_min3A_42 = vector.multi_reduction <minimumf>, %sub3A_40, %reduce_min3A_41 [1] : vector<512x4096xf32> to vector<512xf32>
    %broadcast_in_dim3A_43 = vector.shape_cast %reduce_min3A_42 : vector<512xf32> to vector<512x1xf32>
    %iota3A_44 = tpu.iota {dimensions = array<i32: 1>} : vector<512x4096xi32>
    %convert_element_type3A_45 = arith.sitofp %iota3A_44 : vector<512x4096xi32> to vector<512x4096xf32>
    %eq3A_46 = vector.broadcast %broadcast_in_dim3A_43 : vector<512x1xf32> to vector<512x4096xf32>
    %eq3A_47 = arith.cmpf oeq, %sub3A_40, %eq3A_46 : vector<512x4096xf32>
    %jit3A_48 = arith.constant 3.000000e+38 : f32
    %broadcast_in_dim3A_49 = vector.broadcast %jit3A_48 : f32 to vector<512x4096xf32>
    %select_n3A_50 = arith.select %eq3A_47, %convert_element_type3A_45, %broadcast_in_dim3A_49 : vector<512x4096xi1>, vector<512x4096xf32>
    %reduce_min3A_51 = arith.constant dense<0x7F800000> : vector<512xf32>
    %reduce_min3A_52 = vector.multi_reduction <minimumf>, %select_n3A_50, %reduce_min3A_51 [1] : vector<512x4096xf32> to vector<512xf32>
    %broadcast_in_dim3A_53 = vector.shape_cast %reduce_min3A_52 : vector<512xf32> to vector<512x1xf32>
    %add3A_54 = arith.constant 4.096000e+03 : f32
    %add3A_55 = vector.broadcast %add3A_54 : f32 to vector<512x1xf32>
    %add3A_56 = arith.addf %broadcast_in_dim3A_53, %add3A_55 : vector<512x1xf32>
    %get3A_57 = arith.constant 8192 : index
    %get3A_58 = arith.constant 0 : index
    %get3A_59 = vector.load %arg4[%get3A_57, %get3A_58] : memref<16384x256xbf16, #tpu.memory_space<vmem>>, vector<4096x256xbf16>
    %dot_general3A_60 = arith.constant dense<0.000000e+00> : vector<512x4096xf32>
    %dot_general3A_61 = tpu.matmul %convert_element_type3A, %get3A_59, %dot_general3A_60 {dimension_numbers = #tpu.dot_dimension_numbers<[1], [1], [0], [0], [0, 0, 1, 0], [], []>, transpose_lhs_hint = false} : vector<512x256xbf16>, vector<4096x256xbf16>, vector<512x4096xf32> -> vector<512x4096xf32>
    %get3A_62 = arith.constant 0 : index
    %get3A_63 = arith.constant 8192 : index
    %get3A_64 = vector.load %arg3[%get3A_62, %get3A_63] : memref<1x16384xf32, #tpu.memory_space<vmem>>, vector<1x4096xf32>
    %add3A_65 = vector.broadcast %get3A_1 : vector<512x1xf32> to vector<512x4096xf32>
    %add3A_66 = vector.broadcast %get3A_64 : vector<1x4096xf32> to vector<512x4096xf32>
    %add3A_67 = arith.addf %add3A_65, %add3A_66 : vector<512x4096xf32>
    %mul3A_68 = arith.constant 2.000000e+00 : f32
    %mul3A_69 = vector.broadcast %mul3A_68 : f32 to vector<512x4096xf32>
    %mul3A_70 = arith.mulf %mul3A_69, %dot_general3A_61 : vector<512x4096xf32>
    %sub3A_71 = arith.subf %add3A_67, %mul3A_70 : vector<512x4096xf32>
    %reduce_min3A_72 = arith.constant dense<0x7F800000> : vector<512xf32>
    %reduce_min3A_73 = vector.multi_reduction <minimumf>, %sub3A_71, %reduce_min3A_72 [1] : vector<512x4096xf32> to vector<512xf32>
    %broadcast_in_dim3A_74 = vector.shape_cast %reduce_min3A_73 : vector<512xf32> to vector<512x1xf32>
    %iota3A_75 = tpu.iota {dimensions = array<i32: 1>} : vector<512x4096xi32>
    %convert_element_type3A_76 = arith.sitofp %iota3A_75 : vector<512x4096xi32> to vector<512x4096xf32>
    %eq3A_77 = vector.broadcast %broadcast_in_dim3A_74 : vector<512x1xf32> to vector<512x4096xf32>
    %eq3A_78 = arith.cmpf oeq, %sub3A_71, %eq3A_77 : vector<512x4096xf32>
    %jit3A_79 = arith.constant 3.000000e+38 : f32
    %broadcast_in_dim3A_80 = vector.broadcast %jit3A_79 : f32 to vector<512x4096xf32>
    %select_n3A_81 = arith.select %eq3A_78, %convert_element_type3A_76, %broadcast_in_dim3A_80 : vector<512x4096xi1>, vector<512x4096xf32>
    %reduce_min3A_82 = arith.constant dense<0x7F800000> : vector<512xf32>
    %reduce_min3A_83 = vector.multi_reduction <minimumf>, %select_n3A_81, %reduce_min3A_82 [1] : vector<512x4096xf32> to vector<512xf32>
    %broadcast_in_dim3A_84 = vector.shape_cast %reduce_min3A_83 : vector<512xf32> to vector<512x1xf32>
    %add3A_85 = arith.constant 8.192000e+03 : f32
    %add3A_86 = vector.broadcast %add3A_85 : f32 to vector<512x1xf32>
    %add3A_87 = arith.addf %broadcast_in_dim3A_84, %add3A_86 : vector<512x1xf32>
    %get3A_88 = arith.constant 12288 : index
    %get3A_89 = arith.constant 0 : index
    %get3A_90 = vector.load %arg4[%get3A_88, %get3A_89] : memref<16384x256xbf16, #tpu.memory_space<vmem>>, vector<4096x256xbf16>
    %dot_general3A_91 = arith.constant dense<0.000000e+00> : vector<512x4096xf32>
    %dot_general3A_92 = tpu.matmul %convert_element_type3A, %get3A_90, %dot_general3A_91 {dimension_numbers = #tpu.dot_dimension_numbers<[1], [1], [0], [0], [0, 0, 1, 0], [], []>, transpose_lhs_hint = false} : vector<512x256xbf16>, vector<4096x256xbf16>, vector<512x4096xf32> -> vector<512x4096xf32>
    %get3A_93 = arith.constant 0 : index
    %get3A_94 = arith.constant 12288 : index
    %get3A_95 = vector.load %arg3[%get3A_93, %get3A_94] : memref<1x16384xf32, #tpu.memory_space<vmem>>, vector<1x4096xf32>
    %add3A_96 = vector.broadcast %get3A_1 : vector<512x1xf32> to vector<512x4096xf32>
    %add3A_97 = vector.broadcast %get3A_95 : vector<1x4096xf32> to vector<512x4096xf32>
    %add3A_98 = arith.addf %add3A_96, %add3A_97 : vector<512x4096xf32>
    %mul3A_99 = arith.constant 2.000000e+00 : f32
    %mul3A_100 = vector.broadcast %mul3A_99 : f32 to vector<512x4096xf32>
    %mul3A_101 = arith.mulf %mul3A_100, %dot_general3A_92 : vector<512x4096xf32>
    %sub3A_102 = arith.subf %add3A_98, %mul3A_101 : vector<512x4096xf32>
    %reduce_min3A_103 = arith.constant dense<0x7F800000> : vector<512xf32>
    %reduce_min3A_104 = vector.multi_reduction <minimumf>, %sub3A_102, %reduce_min3A_103 [1] : vector<512x4096xf32> to vector<512xf32>
    %broadcast_in_dim3A_105 = vector.shape_cast %reduce_min3A_104 : vector<512xf32> to vector<512x1xf32>
    %iota3A_106 = tpu.iota {dimensions = array<i32: 1>} : vector<512x4096xi32>
    %convert_element_type3A_107 = arith.sitofp %iota3A_106 : vector<512x4096xi32> to vector<512x4096xf32>
    %eq3A_108 = vector.broadcast %broadcast_in_dim3A_105 : vector<512x1xf32> to vector<512x4096xf32>
    %eq3A_109 = arith.cmpf oeq, %sub3A_102, %eq3A_108 : vector<512x4096xf32>
    %jit3A_110 = arith.constant 3.000000e+38 : f32
    %broadcast_in_dim3A_111 = vector.broadcast %jit3A_110 : f32 to vector<512x4096xf32>
    %select_n3A_112 = arith.select %eq3A_109, %convert_element_type3A_107, %broadcast_in_dim3A_111 : vector<512x4096xi1>, vector<512x4096xf32>
    %reduce_min3A_113 = arith.constant dense<0x7F800000> : vector<512xf32>
    %reduce_min3A_114 = vector.multi_reduction <minimumf>, %select_n3A_112, %reduce_min3A_113 [1] : vector<512x4096xf32> to vector<512xf32>
    %broadcast_in_dim3A_115 = vector.shape_cast %reduce_min3A_114 : vector<512xf32> to vector<512x1xf32>
    %add3A_116 = arith.constant 1.228800e+04 : f32
    %add3A_117 = vector.broadcast %add3A_116 : f32 to vector<512x1xf32>
    %add3A_118 = arith.addf %broadcast_in_dim3A_115, %add3A_117 : vector<512x1xf32>
    %broadcast_in_dim3A_119 = arith.constant 3.000000e+38 : f32
    %broadcast_in_dim3A_120 = vector.broadcast %broadcast_in_dim3A_119 : f32 to vector<512x1xf32>
    %broadcast_in_dim3A_121 = arith.constant 0.000000e+00 : f32
    %broadcast_in_dim3A_122 = vector.broadcast %broadcast_in_dim3A_121 : f32 to vector<512x1xf32>
    %lt3A = arith.cmpf olt, %broadcast_in_dim3A, %broadcast_in_dim3A_120 : vector<512x1xf32>
    %select_n3A_123 = arith.select %lt3A, %add3A_25, %broadcast_in_dim3A_122 : vector<512x1xi1>, vector<512x1xf32>
    %convert_element_type3A_124 = arith.truncf %broadcast_in_dim3A : vector<512x1xf32> to vector<512x1xbf16>
    %convert_element_type3A_125 = arith.extf %convert_element_type3A_124 : vector<512x1xbf16> to vector<512x1xf32>
    %select_n3A_126 = arith.select %lt3A, %convert_element_type3A_125, %broadcast_in_dim3A_120 : vector<512x1xi1>, vector<512x1xf32>
    %lt3A_127 = arith.cmpf olt, %broadcast_in_dim3A_43, %select_n3A_126 : vector<512x1xf32>
    %select_n3A_128 = arith.select %lt3A_127, %add3A_56, %select_n3A_123 : vector<512x1xi1>, vector<512x1xf32>
    %convert_element_type3A_129 = arith.truncf %broadcast_in_dim3A_43 : vector<512x1xf32> to vector<512x1xbf16>
    %convert_element_type3A_130 = arith.extf %convert_element_type3A_129 : vector<512x1xbf16> to vector<512x1xf32>
    %select_n3A_131 = arith.select %lt3A_127, %convert_element_type3A_130, %select_n3A_126 : vector<512x1xi1>, vector<512x1xf32>
    %lt3A_132 = arith.cmpf olt, %broadcast_in_dim3A_74, %select_n3A_131 : vector<512x1xf32>
    %select_n3A_133 = arith.select %lt3A_132, %add3A_87, %select_n3A_128 : vector<512x1xi1>, vector<512x1xf32>
    %convert_element_type3A_134 = arith.truncf %broadcast_in_dim3A_74 : vector<512x1xf32> to vector<512x1xbf16>
    %convert_element_type3A_135 = arith.extf %convert_element_type3A_134 : vector<512x1xbf16> to vector<512x1xf32>
    %select_n3A_136 = arith.select %lt3A_132, %convert_element_type3A_135, %select_n3A_131 : vector<512x1xi1>, vector<512x1xf32>
    %lt3A_137 = arith.cmpf olt, %broadcast_in_dim3A_105, %select_n3A_136 : vector<512x1xf32>
    %select_n3A_138 = arith.select %lt3A_137, %add3A_118, %select_n3A_133 : vector<512x1xi1>, vector<512x1xf32>
    %convert_element_type3A_139 = arith.fptosi %select_n3A_138 : vector<512x1xf32> to vector<512x1xi32>
    %swap3A = arith.constant 0 : index
    %swap3A_140 = arith.constant 0 : index
    %swap3A_141 = vector.load %arg5[%swap3A, %swap3A_140] : memref<512x1xi32, #tpu.memory_space<vmem>>, vector<512x1xi32>
    tpu.vector_store %arg5[%swap3A, %swap3A_140], %convert_element_type3A_139 {strides = array<i32>} : memref<512x1xi32, #tpu.memory_space<vmem>>, vector<512x1xi32>,
    return
  }
  func.func @transform_0(%arg0: i32) -> (i32, i32) {
    %c0_i32 = arith.constant 0 : i32
    %c0_i32_0 = arith.constant 0 : i32
    return %arg0, %c0_i32 : i32, i32
  }
  func.func @transform_1(%arg0: i32) -> (i32, i32) {
    %c0_i32 = arith.constant 0 : i32
    %c0_i32_0 = arith.constant 0 : i32
    return %arg0, %c0_i32 : i32, i32
  }
  func.func @transform_2(%arg0: i32) -> (i32, i32) {
    %c0_i32 = arith.constant 0 : i32
    %c0_i32_0 = arith.constant 0 : i32
    %c0_i32_1 = arith.constant 0 : i32
    return %c0_i32, %c0_i32_0 : i32, i32
  }
  func.func @transform_3(%arg0: i32) -> (i32, i32) {
    %c0_i32 = arith.constant 0 : i32
    %c0_i32_0 = arith.constant 0 : i32
    %c0_i32_1 = arith.constant 0 : i32
    return %c0_i32, %c0_i32_0 : i32, i32
  }
  func.func @transform_4(%arg0: i32) -> (i32, i32) {
    %c0_i32 = arith.constant 0 : i32
    %c0_i32_0 = arith.constant 0 : i32
    return %arg0, %c0_i32 : i32, i32
  }
}

module attributes {stable_mosaic.version = 14 : i64} {
  func.func @_dec_body(%arg0: i32, %arg1: memref<512x256xf32, #tpu.memory_space<vmem>>, %arg2: memref<512x256xf32, #tpu.memory_space<vmem>>, %arg3: memref<512x1024xf32, #tpu.memory_space<vmem>>, %arg4: memref<256x2048xbf16, #tpu.memory_space<vmem>>, %arg5: memref<1x2048xf32, #tpu.memory_space<vmem>>, %arg6: memref<1x2048xf32, #tpu.memory_space<vmem>>, %arg7: memref<1x2048xf32, #tpu.memory_space<vmem>>, %arg8: memref<2048x2048xbf16, #tpu.memory_space<vmem>>, %arg9: memref<1x2048xf32, #tpu.memory_space<vmem>>, %arg10: memref<1x2048xf32, #tpu.memory_space<vmem>>, %arg11: memref<1x2048xf32, #tpu.memory_space<vmem>>, %arg12: memref<2048x1024xbf16, #tpu.memory_space<vmem>>, %arg13: memref<1x1024xf32, #tpu.memory_space<vmem>>, %arg14: memref<512x1024xf32, #tpu.memory_space<vmem>>, %arg15: memref<1x1x1xf32, #tpu.memory_space<vmem>>, %arg16: memref<1x1x1xf32, #tpu.memory_space<vmem>>) attributes {dimension_semantics = [#tpu.dimension_semantics<arbitrary>], iteration_bounds = array<i64: 8>, scalar_prefetch = 0 : i64, scratch_operands = 0 : i64, tpu.core_type = #tpu.core_type<tc>, window_params = [{transform_indices = @transform_0, window_bounds = array<i64: 512, 256>}, {transform_indices = @transform_1, window_bounds = array<i64: 512, 256>}, {transform_indices = @transform_2, window_bounds = array<i64: 512, 1024>}, {pipeline_mode = #tpu.pipeline_mode<synchronous>, transform_indices = @transform_3, window_bounds = array<i64: 256, 2048>}, {pipeline_mode = #tpu.pipeline_mode<synchronous>, transform_indices = @transform_4, window_bounds = array<i64: 1, 2048>}, {pipeline_mode = #tpu.pipeline_mode<synchronous>, transform_indices = @transform_5, window_bounds = array<i64: 1, 2048>}, {pipeline_mode = #tpu.pipeline_mode<synchronous>, transform_indices = @transform_6, window_bounds = array<i64: 1, 2048>}, {pipeline_mode = #tpu.pipeline_mode<synchronous>, transform_indices = @transform_7, window_bounds = array<i64: 2048, 2048>}, {pipeline_mode = #tpu.pipeline_mode<synchronous>, transform_indices = @transform_8, window_bounds = array<i64: 1, 2048>}, {pipeline_mode = #tpu.pipeline_mode<synchronous>, transform_indices = @transform_9, window_bounds = array<i64: 1, 2048>}, {pipeline_mode = #tpu.pipeline_mode<synchronous>, transform_indices = @transform_10, window_bounds = array<i64: 1, 2048>}, {pipeline_mode = #tpu.pipeline_mode<synchronous>, transform_indices = @transform_11, window_bounds = array<i64: 2048, 1024>}, {pipeline_mode = #tpu.pipeline_mode<synchronous>, transform_indices = @transform_12, window_bounds = array<i64: 1, 1024>}, {transform_indices = @transform_13, window_bounds = array<i64: 512, 1024>}, {transform_indices = @transform_14, window_bounds = array<i64: 1, 1, 1>}, {transform_indices = @transform_15, window_bounds = array<i64: 1, 1, 1>}]} {
    %get3A = arith.constant 0 : index
    %get3A_0 = arith.constant 0 : index
    %get3A_1 = vector.load %arg1[%get3A, %get3A_0] : memref<512x256xf32, #tpu.memory_space<vmem>>, vector<512x256xf32>
    %get3A_2 = arith.constant 0 : index
    %get3A_3 = arith.constant 0 : index
    %get3A_4 = vector.load %arg2[%get3A_2, %get3A_3] : memref<512x256xf32, #tpu.memory_space<vmem>>, vector<512x256xf32>
    %sub3A = arith.subf %get3A_4, %get3A_1 : vector<512x256xf32>
    %add3A = arith.addf %get3A_1, %sub3A : vector<512x256xf32>
    %sub3A_5 = arith.subf %get3A_1, %get3A_4 : vector<512x256xf32>
    %mul3A = arith.mulf %sub3A_5, %sub3A_5 : vector<512x256xf32>
    %reduce_sum3A = vector.shape_cast %mul3A : vector<512x256xf32> to vector<1x512x256xf32>
    %reduce_sum3A_6 = arith.constant dense<0.000000e+00> : vector<1xf32>
    %reduce_sum3A_7 = vector.multi_reduction <add>, %reduce_sum3A, %reduce_sum3A_6 [1, 2] : vector<1x512x256xf32> to vector<1xf32>
    %reduce_sum3A_8 = vector.shape_cast %reduce_sum3A_7 : vector<1xf32> to vector<1x1x1xf32>
    %reduce_sum3A_9 = vector.extract %reduce_sum3A_8[0, 0, 0] : f32 from vector<1x1x1xf32>
    %broadcast_in_dim3A = vector.broadcast %reduce_sum3A_9 : f32 to vector<1x1xf32>
    %broadcast_in_dim3A_10 = vector.shape_cast %broadcast_in_dim3A : vector<1x1xf32> to vector<1x1x1xf32>
    %swap3A = arith.constant 0 : index
    %swap3A_11 = arith.constant 0 : index
    %swap3A_12 = arith.constant 0 : index
    %swap3A_13 = vector.load %arg15[%swap3A, %swap3A_11, %swap3A_12] : memref<1x1x1xf32, #tpu.memory_space<vmem>>, vector<1x1x1xf32>
    tpu.vector_store %arg15[%swap3A, %swap3A_11, %swap3A_12], %broadcast_in_dim3A_10 {strides = array<i32>} : memref<1x1x1xf32, #tpu.memory_space<vmem>>, vector<1x1x1xf32>,
    %convert_element_type3A = arith.truncf %add3A : vector<512x256xf32> to vector<512x256xbf16>
    %get3A_14 = arith.constant 0 : index
    %get3A_15 = arith.constant 0 : index
    %get3A_16 = vector.load %arg4[%get3A_14, %get3A_15] : memref<256x2048xbf16, #tpu.memory_space<vmem>>, vector<256x2048xbf16>
    %dot_general3A = arith.constant dense<0.000000e+00> : vector<512x2048xf32>
    %dot_general3A_17 = tpu.matmul %convert_element_type3A, %get3A_16, %dot_general3A {dimension_numbers = #tpu.dot_dimension_numbers<[1], [0], [0], [1], [0, 0, 1, 1], [], []>, transpose_lhs_hint = false} : vector<512x256xbf16>, vector<256x2048xbf16>, vector<512x2048xf32> -> vector<512x2048xf32>
    %get3A_18 = arith.constant 0 : index
    %get3A_19 = arith.constant 0 : index
    %get3A_20 = vector.load %arg5[%get3A_18, %get3A_19] : memref<1x2048xf32, #tpu.memory_space<vmem>>, vector<1x2048xf32>
    %add3A_21 = vector.broadcast %get3A_20 : vector<1x2048xf32> to vector<512x2048xf32>
    %add3A_22 = arith.addf %dot_general3A_17, %add3A_21 : vector<512x2048xf32>
    %get3A_23 = arith.constant 0 : index
    %get3A_24 = arith.constant 0 : index
    %get3A_25 = vector.load %arg6[%get3A_23, %get3A_24] : memref<1x2048xf32, #tpu.memory_space<vmem>>, vector<1x2048xf32>
    %get3A_26 = arith.constant 0 : index
    %get3A_27 = arith.constant 0 : index
    %get3A_28 = vector.load %arg7[%get3A_26, %get3A_27] : memref<1x2048xf32, #tpu.memory_space<vmem>>, vector<1x2048xf32>
    %reduce_sum3A_29 = arith.constant dense<0.000000e+00> : vector<512xf32>
    %reduce_sum3A_30 = vector.multi_reduction <add>, %add3A_22, %reduce_sum3A_29 [1] : vector<512x2048xf32> to vector<512xf32>
    %broadcast_in_dim3A_31 = vector.shape_cast %reduce_sum3A_30 : vector<512xf32> to vector<512x1xf32>
    %div3A = arith.constant 2.048000e+03 : f32
    %div3A_32 = vector.broadcast %div3A : f32 to vector<512x1xf32>
    %div3A_33 = arith.divf %broadcast_in_dim3A_31, %div3A_32 : vector<512x1xf32>
    %sub3A_34 = vector.broadcast %div3A_33 : vector<512x1xf32> to vector<512x2048xf32>
    %sub3A_35 = arith.subf %add3A_22, %sub3A_34 : vector<512x2048xf32>
    %integer_pow3A = arith.mulf %sub3A_35, %sub3A_35 : vector<512x2048xf32>
    %reduce_sum3A_36 = arith.constant dense<0.000000e+00> : vector<512xf32>
    %reduce_sum3A_37 = vector.multi_reduction <add>, %integer_pow3A, %reduce_sum3A_36 [1] : vector<512x2048xf32> to vector<512xf32>
    %broadcast_in_dim3A_38 = vector.shape_cast %reduce_sum3A_37 : vector<512xf32> to vector<512x1xf32>
    %div3A_39 = arith.constant 2.048000e+03 : f32
    %div3A_40 = vector.broadcast %div3A_39 : f32 to vector<512x1xf32>
    %div3A_41 = arith.divf %broadcast_in_dim3A_38, %div3A_40 : vector<512x1xf32>
    %sub3A_42 = vector.broadcast %div3A_33 : vector<512x1xf32> to vector<512x2048xf32>
    %sub3A_43 = arith.subf %add3A_22, %sub3A_42 : vector<512x2048xf32>
    %add3A_44 = arith.constant 9.99999974E-6 : f32
    %add3A_45 = vector.broadcast %add3A_44 : f32 to vector<512x1xf32>
    %add3A_46 = arith.addf %div3A_41, %add3A_45 : vector<512x1xf32>
    %sqrt3A = math.sqrt %add3A_46 : vector<512x1xf32>
    %div3A_47 = vector.broadcast %sqrt3A : vector<512x1xf32> to vector<512x2048xf32>
    %div3A_48 = arith.divf %sub3A_43, %div3A_47 : vector<512x2048xf32>
    %mul3A_49 = vector.broadcast %get3A_25 : vector<1x2048xf32> to vector<512x2048xf32>
    %mul3A_50 = arith.mulf %div3A_48, %mul3A_49 : vector<512x2048xf32>
    %add3A_51 = vector.broadcast %get3A_28 : vector<1x2048xf32> to vector<512x2048xf32>
    %add3A_52 = arith.addf %mul3A_50, %add3A_51 : vector<512x2048xf32>
    %max3A = arith.constant 0.000000e+00 : f32
    %max3A_53 = vector.broadcast %max3A : f32 to vector<512x2048xf32>
    %max3A_54 = arith.maximumf %add3A_52, %max3A_53 : vector<512x2048xf32>
    %convert_element_type3A_55 = arith.truncf %max3A_54 : vector<512x2048xf32> to vector<512x2048xbf16>
    %get3A_56 = arith.constant 0 : index
    %get3A_57 = arith.constant 0 : index
    %get3A_58 = vector.load %arg8[%get3A_56, %get3A_57] : memref<2048x2048xbf16, #tpu.memory_space<vmem>>, vector<2048x2048xbf16>
    %dot_general3A_59 = arith.constant dense<0.000000e+00> : vector<512x2048xf32>
    %dot_general3A_60 = tpu.matmul %convert_element_type3A_55, %get3A_58, %dot_general3A_59 {dimension_numbers = #tpu.dot_dimension_numbers<[1], [0], [0], [1], [0, 0, 1, 1], [], []>, transpose_lhs_hint = false} : vector<512x2048xbf16>, vector<2048x2048xbf16>, vector<512x2048xf32> -> vector<512x2048xf32>
    %get3A_61 = arith.constant 0 : index
    %get3A_62 = arith.constant 0 : index
    %get3A_63 = vector.load %arg9[%get3A_61, %get3A_62] : memref<1x2048xf32, #tpu.memory_space<vmem>>, vector<1x2048xf32>
    %add3A_64 = vector.broadcast %get3A_63 : vector<1x2048xf32> to vector<512x2048xf32>
    %add3A_65 = arith.addf %dot_general3A_60, %add3A_64 : vector<512x2048xf32>
    %get3A_66 = arith.constant 0 : index
    %get3A_67 = arith.constant 0 : index
    %get3A_68 = vector.load %arg10[%get3A_66, %get3A_67] : memref<1x2048xf32, #tpu.memory_space<vmem>>, vector<1x2048xf32>
    %get3A_69 = arith.constant 0 : index
    %get3A_70 = arith.constant 0 : index
    %get3A_71 = vector.load %arg11[%get3A_69, %get3A_70] : memref<1x2048xf32, #tpu.memory_space<vmem>>, vector<1x2048xf32>
    %reduce_sum3A_72 = arith.constant dense<0.000000e+00> : vector<512xf32>
    %reduce_sum3A_73 = vector.multi_reduction <add>, %add3A_65, %reduce_sum3A_72 [1] : vector<512x2048xf32> to vector<512xf32>
    %broadcast_in_dim3A_74 = vector.shape_cast %reduce_sum3A_73 : vector<512xf32> to vector<512x1xf32>
    %div3A_75 = arith.constant 2.048000e+03 : f32
    %div3A_76 = vector.broadcast %div3A_75 : f32 to vector<512x1xf32>
    %div3A_77 = arith.divf %broadcast_in_dim3A_74, %div3A_76 : vector<512x1xf32>
    %sub3A_78 = vector.broadcast %div3A_77 : vector<512x1xf32> to vector<512x2048xf32>
    %sub3A_79 = arith.subf %add3A_65, %sub3A_78 : vector<512x2048xf32>
    %integer_pow3A_80 = arith.mulf %sub3A_79, %sub3A_79 : vector<512x2048xf32>
    %reduce_sum3A_81 = arith.constant dense<0.000000e+00> : vector<512xf32>
    %reduce_sum3A_82 = vector.multi_reduction <add>, %integer_pow3A_80, %reduce_sum3A_81 [1] : vector<512x2048xf32> to vector<512xf32>
    %broadcast_in_dim3A_83 = vector.shape_cast %reduce_sum3A_82 : vector<512xf32> to vector<512x1xf32>
    %div3A_84 = arith.constant 2.048000e+03 : f32
    %div3A_85 = vector.broadcast %div3A_84 : f32 to vector<512x1xf32>
    %div3A_86 = arith.divf %broadcast_in_dim3A_83, %div3A_85 : vector<512x1xf32>
    %sub3A_87 = vector.broadcast %div3A_77 : vector<512x1xf32> to vector<512x2048xf32>
    %sub3A_88 = arith.subf %add3A_65, %sub3A_87 : vector<512x2048xf32>
    %add3A_89 = arith.constant 9.99999974E-6 : f32
    %add3A_90 = vector.broadcast %add3A_89 : f32 to vector<512x1xf32>
    %add3A_91 = arith.addf %div3A_86, %add3A_90 : vector<512x1xf32>
    %sqrt3A_92 = math.sqrt %add3A_91 : vector<512x1xf32>
    %div3A_93 = vector.broadcast %sqrt3A_92 : vector<512x1xf32> to vector<512x2048xf32>
    %div3A_94 = arith.divf %sub3A_88, %div3A_93 : vector<512x2048xf32>
    %mul3A_95 = vector.broadcast %get3A_68 : vector<1x2048xf32> to vector<512x2048xf32>
    %mul3A_96 = arith.mulf %div3A_94, %mul3A_95 : vector<512x2048xf32>
    %add3A_97 = vector.broadcast %get3A_71 : vector<1x2048xf32> to vector<512x2048xf32>
    %add3A_98 = arith.addf %mul3A_96, %add3A_97 : vector<512x2048xf32>
    %max3A_99 = arith.constant 0.000000e+00 : f32
    %max3A_100 = vector.broadcast %max3A_99 : f32 to vector<512x2048xf32>
    %max3A_101 = arith.maximumf %add3A_98, %max3A_100 : vector<512x2048xf32>
    %convert_element_type3A_102 = arith.truncf %max3A_101 : vector<512x2048xf32> to vector<512x2048xbf16>
    %get3A_103 = arith.constant 0 : index
    %get3A_104 = arith.constant 0 : index
    %get3A_105 = vector.load %arg12[%get3A_103, %get3A_104] : memref<2048x1024xbf16, #tpu.memory_space<vmem>>, vector<2048x1024xbf16>
    %dot_general3A_106 = arith.constant dense<0.000000e+00> : vector<512x1024xf32>
    %dot_general3A_107 = tpu.matmul %convert_element_type3A_102, %get3A_105, %dot_general3A_106 {dimension_numbers = #tpu.dot_dimension_numbers<[1], [0], [0], [1], [0, 0, 1, 1], [], []>, transpose_lhs_hint = false} : vector<512x2048xbf16>, vector<2048x1024xbf16>, vector<512x1024xf32> -> vector<512x1024xf32>
    %get3A_108 = arith.constant 0 : index
    %get3A_109 = arith.constant 0 : index
    %get3A_110 = vector.load %arg13[%get3A_108, %get3A_109] : memref<1x1024xf32, #tpu.memory_space<vmem>>, vector<1x1024xf32>
    %add3A_111 = vector.broadcast %get3A_110 : vector<1x1024xf32> to vector<512x1024xf32>
    %add3A_112 = arith.addf %dot_general3A_107, %add3A_111 : vector<512x1024xf32>
    %swap3A_113 = arith.constant 0 : index
    %swap3A_114 = arith.constant 0 : index
    %swap3A_115 = vector.load %arg14[%swap3A_113, %swap3A_114] : memref<512x1024xf32, #tpu.memory_space<vmem>>, vector<512x1024xf32>
    tpu.vector_store %arg14[%swap3A_113, %swap3A_114], %add3A_112 {strides = array<i32>} : memref<512x1024xf32, #tpu.memory_space<vmem>>, vector<512x1024xf32>,
    %get3A_116 = arith.constant 0 : index
    %get3A_117 = arith.constant 0 : index
    %get3A_118 = vector.load %arg3[%get3A_116, %get3A_117] : memref<512x1024xf32, #tpu.memory_space<vmem>>, vector<512x1024xf32>
    %sub3A_119 = arith.subf %add3A_112, %get3A_118 : vector<512x1024xf32>
    %mul3A_120 = arith.mulf %sub3A_119, %sub3A_119 : vector<512x1024xf32>
    %reduce_sum3A_121 = vector.shape_cast %mul3A_120 : vector<512x1024xf32> to vector<1x512x1024xf32>
    %reduce_sum3A_122 = arith.constant dense<0.000000e+00> : vector<1xf32>
    %reduce_sum3A_123 = vector.multi_reduction <add>, %reduce_sum3A_121, %reduce_sum3A_122 [1, 2] : vector<1x512x1024xf32> to vector<1xf32>
    %reduce_sum3A_124 = vector.shape_cast %reduce_sum3A_123 : vector<1xf32> to vector<1x1x1xf32>
    %reduce_sum3A_125 = vector.extract %reduce_sum3A_124[0, 0, 0] : f32 from vector<1x1x1xf32>
    %broadcast_in_dim3A_126 = vector.broadcast %reduce_sum3A_125 : f32 to vector<1x1xf32>
    %broadcast_in_dim3A_127 = vector.shape_cast %broadcast_in_dim3A_126 : vector<1x1xf32> to vector<1x1x1xf32>
    %swap3A_128 = arith.constant 0 : index
    %swap3A_129 = arith.constant 0 : index
    %swap3A_130 = arith.constant 0 : index
    %swap3A_131 = vector.load %arg16[%swap3A_128, %swap3A_129, %swap3A_130] : memref<1x1x1xf32, #tpu.memory_space<vmem>>, vector<1x1x1xf32>
    tpu.vector_store %arg16[%swap3A_128, %swap3A_129, %swap3A_130], %broadcast_in_dim3A_127 {strides = array<i32>} : memref<1x1x1xf32, #tpu.memory_space<vmem>>, vector<1x1x1xf32>,
    return
  }
  func.func @transform_0(%arg0: i32) -> (i32, i32) {
    %c0_i32 = arith.constant 0 : i32
    %c0_i32_0 = arith.constant 0 : i32
    return %arg0, %c0_i32 : i32, i32
  }
  func.func @transform_1(%arg0: i32) -> (i32, i32) {
    %c0_i32 = arith.constant 0 : i32
    %c0_i32_0 = arith.constant 0 : i32
    return %arg0, %c0_i32 : i32, i32
  }
  func.func @transform_2(%arg0: i32) -> (i32, i32) {
    %c0_i32 = arith.constant 0 : i32
    %c0_i32_0 = arith.constant 0 : i32
    return %arg0, %c0_i32 : i32, i32
  }
  func.func @transform_3(%arg0: i32) -> (i32, i32) {
    %c0_i32 = arith.constant 0 : i32
    %c0_i32_0 = arith.constant 0 : i32
    %c0_i32_1 = arith.constant 0 : i32
    return %c0_i32, %c0_i32_0 : i32, i32
  }
  func.func @transform_4(%arg0: i32) -> (i32, i32) {
    %c0_i32 = arith.constant 0 : i32
    %c0_i32_0 = arith.constant 0 : i32
    %c0_i32_1 = arith.constant 0 : i32
    return %c0_i32, %c0_i32_0 : i32, i32
  }
  func.func @transform_5(%arg0: i32) -> (i32, i32) {
    %c0_i32 = arith.constant 0 : i32
    %c0_i32_0 = arith.constant 0 : i32
    %c0_i32_1 = arith.constant 0 : i32
    return %c0_i32, %c0_i32_0 : i32, i32
  }
  func.func @transform_6(%arg0: i32) -> (i32, i32) {
    %c0_i32 = arith.constant 0 : i32
    %c0_i32_0 = arith.constant 0 : i32
    %c0_i32_1 = arith.constant 0 : i32
    return %c0_i32, %c0_i32_0 : i32, i32
  }
  func.func @transform_7(%arg0: i32) -> (i32, i32) {
    %c0_i32 = arith.constant 0 : i32
    %c0_i32_0 = arith.constant 0 : i32
    %c0_i32_1 = arith.constant 0 : i32
    return %c0_i32, %c0_i32_0 : i32, i32
  }
  func.func @transform_8(%arg0: i32) -> (i32, i32) {
    %c0_i32 = arith.constant 0 : i32
    %c0_i32_0 = arith.constant 0 : i32
    %c0_i32_1 = arith.constant 0 : i32
    return %c0_i32, %c0_i32_0 : i32, i32
  }
  func.func @transform_9(%arg0: i32) -> (i32, i32) {
    %c0_i32 = arith.constant 0 : i32
    %c0_i32_0 = arith.constant 0 : i32
    %c0_i32_1 = arith.constant 0 : i32
    return %c0_i32, %c0_i32_0 : i32, i32
  }
  func.func @transform_10(%arg0: i32) -> (i32, i32) {
    %c0_i32 = arith.constant 0 : i32
    %c0_i32_0 = arith.constant 0 : i32
    %c0_i32_1 = arith.constant 0 : i32
    return %c0_i32, %c0_i32_0 : i32, i32
  }
  func.func @transform_11(%arg0: i32) -> (i32, i32) {
    %c0_i32 = arith.constant 0 : i32
    %c0_i32_0 = arith.constant 0 : i32
    %c0_i32_1 = arith.constant 0 : i32
    return %c0_i32, %c0_i32_0 : i32, i32
  }
  func.func @transform_12(%arg0: i32) -> (i32, i32) {
    %c0_i32 = arith.constant 0 : i32
    %c0_i32_0 = arith.constant 0 : i32
    %c0_i32_1 = arith.constant 0 : i32
    return %c0_i32, %c0_i32_0 : i32, i32
  }
  func.func @transform_13(%arg0: i32) -> (i32, i32) {
    %c0_i32 = arith.constant 0 : i32
    %c0_i32_0 = arith.constant 0 : i32
    return %arg0, %c0_i32 : i32, i32
  }
  func.func @transform_14(%arg0: i32) -> (i32, i32, i32) {
    %c0_i32 = arith.constant 0 : i32
    %c0_i32_0 = arith.constant 0 : i32
    %c0_i32_1 = arith.constant 0 : i32
    return %arg0, %c0_i32, %c0_i32_0 : i32, i32, i32
  }
  func.func @transform_15(%arg0: i32) -> (i32, i32, i32) {
    %c0_i32 = arith.constant 0 : i32
    %c0_i32_0 = arith.constant 0 : i32
    %c0_i32_1 = arith.constant 0 : i32
    return %arg0, %c0_i32, %c0_i32_0 : i32, i32, i32
  }
}

</mosaic_0001>

<sc_bundles>
// kernel: kernel.5.cloned.1.call-start
scs
__scs_entry_jumppad:
0x0: {  	(pc) =	sbr.rel $0x88, $3  }
0x1: {  	(tag) =	ssettag $0x0;
	lr =	simm.s32 $0x1  }
0x2: {  	[smem:$0x3F8B] =	sst lr;
	_ =	strace $0xD0000000  }
0x3: {  	_ = 	snop  }
0x4: {  	_ = 	snop  }
0x5: {  	_ = 	snop  }
0x6: {  	_ = 	snop  }
0x7: {  	_ = 	snop  }
__scs_overlays_trampoline_lowered:
0x8: {  	[smem:$0x3F9A] =	sst s0  }
0x9: {  	[smem:$0x3F9B] =	sst s1  }
0xa: {  	[smem:$0x3F9C] =	sst s2  }
0xb: {  	[smem:$0x3F9D] =	sst s3  }
0xc: {  	[smem:$0x3F9E] =	sst s4  }
0xd: {  	[smem:$0x3F9F] =	sst s5  }
0xe: {  	[smem:$0x3FA0] =	sst s6  }
0xf: {  	[smem:$0x3FA1] =	sst s7  }
0x10: {  	[smem:$0x3FA2] =	sst s8  }
0x11: {  	[smem:$0x3FA3] =	sst s9;
	s0 =	simm.s32 @!p0 $0x0  }
0x12: {  	s1 =	sld [smem:$0x3F89];
	s0 =	simm.s32 @p0 $0x1  }
0x13: {  	[smem:$0x3FA4] =	sst s0;
	s0 =	simm.s32 @!p1 $0x0  }
0x14: {  	s2 =	sld [smem:$0x3F88];
	s0 =	simm.s32 @p1 $0x1  }
0x15: {  	[smem:$0x3FA5] =	sst s0;
	s0 =	simm.s32 @!p2 $0x0  }
0x16: {  	s3 =	sld [smem:$0x3FDB];
	s0 =	simm.s32 @p2 $0x1  }
0x17: {  	s4 =	simm.s32 $0x1BF5;
	[smem:$0x3FA7] =	sst s0  }
0x18: {  	s0 =	sld [smem:$0x3F8A];
	_ =	swait.ge [sflag:s4], $0x0  }
0x19: {  	s7 =	sld [smem:$0x3F8B]  }
0x1a: {  	s8 =	sadd.s32 $0xFFFFE003, lr  }
0x1b: {  	s9 =	sadd.s32 $0xFFFFFEF7, lr;
	s5 =	simm.s32 $0xFFFFFFFF;
	p2 =	slt.u32 s8, $0xFFFFF086  }
0x1c: {  	p1 =	slt.u32 s9, $0xF7A;
	s5 =	simm.s32 @!p2 $0x0  }
0x1d: {  	s5 =	simm.s32 @p1 $0x1;
	p0 =	seq.s32 s7, s2  }
0x1e: {  	s7 =	smul.u32 @!p0 $0xF7A, s2;
	p2 =	seq.s32 @!p0 s5, $0x0  }
0x1f: {  	s9 =	smul.u32 $0xF7A, s1;
	s8 =	simm.s32 @!p0 $0x1BF5;
	p2 =	por !p2, p0  }
0x20: {  	[sflag:s8] =	ssyncset.s32 @!p0 $0xFFFFF086;
	s6 =	sadd.s32 @!p0 s3, s7;
	s7 =	simm.s32 @!p0 $0x108  }
0x21: {  	s3 =	sadd.s32 s3, s9;
	s6 =	sadd.s32 @!p0 $0x88, s6;
	s7 =	simm.s32 @p2 $0x1082  }
0x22: {  	[simem:s7], [sflag:s8] =	dma.local @!p0 [hbm:s6], $0xF7A  }
0x23: {  	s9 =	sor.u32 $0xD0000000, s2;
	s6 =	simm.s32 $0x108;
	_ =	swait.ge @!p0 [sflag:s8], $0x0  }
0x24: {  	s3 =	sadd.s32 $0x88, s3;
	s6 =	simm.s32 @!p1 $0x1082;
	[sflag:s4] =	ssyncset.s32 $0xFFFFF086  }
0x25: {  	[simem:s6], [sflag:s4] =	dma.local [hbm:s3], $0xF7A  }
0x26: {  	[smem:$0x3F8B] =	sst s1;
	(tag) =	ssettag s2;
	_ =	strace s9  }
0x27: {  	s1 =	sld [smem:$0x3F9B]  }
0x28: {  	s2 =	sld [smem:$0x3F9C]  }
0x29: {  	s4 =	sld [smem:$0x3F9E]  }
0x2a: {  	p0 =	seq.s32 s5, $0x0;
	s5 =	sld [smem:$0x3F9F]  }
0x2b: {  	s6 =	sld [smem:$0x3FA0]  }
0x2c: {  	s7 =	sld [smem:$0x3FA1]  }
0x2d: {  	s3 =	simm.s32 $0x108;
	s8 =	sld [smem:$0x3FA2]  }
0x2e: {  	s3 =	simm.s32 @!p0 $0x1082;
	s9 =	sld [smem:$0x3FA3]  }
0x2f: {  	lr =	sadd.s32 s0, s3;
	s0 =	sld [smem:$0x3F9A]  }
0x30: {  	s3 =	sld [smem:$0x3F9D]  }
0x31: {  	[smem:$0x3FA6] =	sst s10  }
0x32: {  	s10 =	sld [smem:$0x3FA4];
	_ =	sdelay $0x3  }
0x33: {  	p0 =	seq.s32 s10, $0x1;
	s10 =	sld [smem:$0x3FA6];
	_ =	sdelay $0x3  }
0x34: {  	[smem:$0x3FA6] =	sst s10  }
0x35: {  	s10 =	sld [smem:$0x3FA5];
	_ =	sdelay $0x3  }
0x36: {  	p1 =	seq.s32 s10, $0x1;
	s10 =	sld [smem:$0x3FA6];
	_ =	sdelay $0x3  }
0x37: {  	[smem:$0x3FA6] =	sst s10  }
0x38: {  	s10 =	sld [smem:$0x3FA7]  }
0x39: {  	_ = 	snop;
	(pc) =	sbr.ind lr, $3  }
0x3a: {  	_ = 	snop  }
0x3b: {  	_ = 	snop  }
0x3c: {  	p2 =	seq.s32 s10, $0x1;
	s10 =	sld [smem:$0x3FA6]  }
0x3d: {  	_ =	shalt  }
0x3e: {  	_ =	shalt  }
0x3f: {  	_ =	shalt  }
0x40: {  	_ =	shalt  }
0x41: {  	_ =	shalt  }
0x42: {  	_ =	shalt  }
0x43: {  	_ =	shalt  }
0x44: {  	_ =	shalt  }
0x45: {  	_ =	shalt  }
0x46: {  	_ =	shalt  }
0x47: {  	_ =	shalt  }
0x48: {  	_ =	shalt  }
0x49: {  	_ =	shalt  }
0x4a: {  	_ =	shalt  }
0x4b: {  	_ =	shalt  }
0x4c: {  	_ =	shalt  }
0x4d: {  	_ =	shalt  }
0x4e: {  	_ =	shalt  }
0x4f: {  	_ =	shalt  }
0x50: {  	_ =	shalt  }
0x51: {  	_ =	shalt  }
0x52: {  	_ =	shalt  }
0x53: {  	_ =	shalt  }
0x54: {  	_ =	shalt  }
0x55: {  	_ =	shalt  }
0x56: {  	_ =	shalt  }
0x57: {  	_ =	shalt  }
0x58: {  	_ =	shalt  }
0x59: {  	_ =	shalt  }
0x5a: {  	_ =	shalt  }
0x5b: {  	_ =	shalt  }
0x5c: {  	_ =	shalt  }
0x5d: {  	_ =	shalt  }
0x5e: {  	_ =	shalt  }
0x5f: {  	_ =	shalt  }
0x60: {  	_ =	shalt  }
0x61: {  	_ =	shalt  }
0x62: {  	_ =	shalt  }
0x63: {  	_ =	shalt  }
0x64: {  	_ =	shalt  }
0x65: {  	_ =	shalt  }
0x66: {  	_ =	shalt  }
0x67: {  	_ =	shalt  }
0x68: {  	_ =	shalt  }
0x69: {  	_ =	shalt  }
0x6a: {  	_ =	shalt  }
0x6b: {  	_ =	shalt  }
0x6c: {  	_ =	shalt  }
0x6d: {  	_ =	shalt  }
0x6e: {  	_ =	shalt  }
0x6f: {  	_ =	shalt  }
0x70: {  	_ =	shalt  }
0x71: {  	_ =	shalt  }
0x72: {  	_ =	shalt  }
0x73: {  	_ =	shalt  }
0x74: {  	_ =	shalt  }
0x75: {  	_ =	shalt  }
0x76: {  	_ =	shalt  }
0x77: {  	_ =	shalt  }
0x78: {  	_ =	shalt  }
0x79: {  	_ =	shalt  }
0x7a: {  	_ =	shalt  }
0x7b: {  	_ =	shalt  }
0x7c: {  	_ =	shalt  }
0x7d: {  	_ =	shalt  }
0x7e: {  	_ =	shalt  }
0x7f: {  	_ =	shalt  }
0x80: {  	_ =	shalt  }
0x81: {  	_ =	shalt  }
0x82: {  	_ =	shalt  }
0x83: {  	_ =	shalt  }
0x84: {  	_ =	shalt  }
0x85: {  	_ =	shalt  }
0x86: {  	_ =	shalt  }
0x87: {  	_ =	shalt  }
.Lfunc_end0:
.L_simem_size_0:
called_computation_lowered:
.L_overlay_start_0:
0x88: {  	s2 =	sld [smem:$0x3FD9]  }
0x89: {  	s3 =	sld [smem:$0x3FFE];
	_ =	sdelay $0x1  }
0x8a: {  	s1 =	srdreg.scid  }
0x8b: {  	s0 =	sand.u32 $0x1, s1  }
0x8c: {  	s14 =	sshll.u32 s0, $0xA;
	s2 =	sadd.s32 s3, s2  }
0x8d: {  	s2 =	sadd.s32 s2, s14  }
0x8e: {  	[smem:$0x3FB2] =	sst s2  }
0x8f: {  	_ = 	snop  }
0x90: {  	s2 =	sld [smem:$0x3FD0];
	_ =	sdelay $0x2  }
0x91: {  	s4 =	simm.s32 $0xA;
	s5 =	simm.s32 $0x10;
	s15 =	sld [smem:$0x3FBE]  }
0x92: {  	[smem:s5], [sflag:s4] =	dma.local [hbm:s2], $0x1  }
0x93: {  	_ =	swait.eq [sflag:s4], $0x1  }
0x94: {  	[sflag:s4] =	ssyncset.done $0x0  }
0x95: {  	[sflag:s4] =	ssyncadd.s32 $0xFFFFFFFF  }
0x96: {  	s16 =	sld [smem:$0x11];
	(tm) =	ssettm $0x1  }
0x97: {  	s17 =	sld [smem:$0x3FFB];
	_ =	sdelay $0x3  }
0x98: {  	_ =	strace s17  }
0x99: {  	s4 =	sld [smem:$0x3FFC];
	_ =	sdelay $0x3  }
0x9a: {  	_ =	strace s4  }
0x9b: {  	s4 =	sld [smem:$0x3FFD];
	_ =	sdelay $0x3  }
0x9c: {  	_ =	strace s4  }
0x9d: {  	_ =	strace $0x8FFFFFFF  }
0x9e: {  	s18 =	sld [smem:$0x3FDB];
	_ =	sdelay $0x1  }
0x9f: {  	s19 =	simm.s32 $_scs_section_size  }
0xa0: {  	s6 =	simm.s32 $_size__tile_overlayer_lowered;
	s7 =	simm.s32 $_tile_overlayer_lowered  }
0xa1: {  	s22 =	simm.s32 $0x1BFF;
	s21 =	sshll.u32 s7, $0x1;
	s4 =	sadd.s32 s19, s18  }
0xa2: {  	s8 =	simm.s32 $0x0;
	s20 =	sshll.u32 s6, $0x1;
	s6 =	sadd.s32 s21, s4  }
0xa3: {  	[timem:s8], [sflag:s22] =	dma.local [hbm:s6], s20  }
0xa4: {  	_ =	swait.ge [sflag:s22], s20  }
0xa5: {  	s5 =	ssub.s32 $0x0, s20;
	[sflag:s22] =	ssyncset.done $0x0  }
0xa6: {  	[sflag:s22] =	ssyncadd.s32 s5;
	_ =	sdelay $0x1  }
0xa7: {  	s23 =	simm.s32 $0x1B8B  }
0xa8: {  	_ =	swait.ge [sflag:s23], $0x1  }
0xa9: {  	[sflag:s23] =	ssyncset.done $0x0  }
0xaa: {  	s25 =	simm.s32 $0x1B8E;
	s24 =	sld [smem:$0x3FFE];
	[sflag:s23] =	ssyncadd.s32 $0xFFFFFFFF  }
0xab: {  	s26 =	simm.s32 $execute0_lowered;
	[smem:$0x3FD2] =	sst s25  }
0xac: {  	s6 =	sshll.u32 s26, $0x1;
	_ =	strace $0x80000046;
	[dreg:$0x1] =	wrdreg $0xFFFFFFFF  }
0xad: {  	s28 =	simm.s32 $_size_execute0_lowered;
	s4 =	sadd.s32 s4, s6;
	[dreg:$0x0] =	wrdreg $0x0  }
0xae: {  	s6 =	sshll.u32 s28, $0x1;
	[dreg:$0x2] =	wrdreg s4  }
0xaf: {  	[dreg:$0x3] =	wrdreg s6  }
0xb0: {  	[dreg:$0x4] =	wrdreg $0xC0  }
0xb1: {  	_ =	task [dreg:s8], $0x5FFFF  }
0xb2: {  	[dreg:$0x1] =	wrdreg $0xFFFFFFFF  }
0xb3: {  	[dreg:$0x0] =	wrdreg $0x60  }
0xb4: {  	[dreg:$0x2] =	wrdreg s15  }
0xb5: {  	[dreg:$0x3] =	wrdreg s16  }
0xb6: {  	[dreg:$0x4] =	wrdreg s24  }
0xb7: {  	[dreg:$0x5] =	wrdreg $0x9  }
0xb8: {  	_ =	task.clear_ibuf [dreg:s8], $0x6FFFF;
	_ =	strace $0x90000046  }
0xb9: {  	s29 =	simm.s32 $0x9;
	_ =	strace $0x8000004D  }
0xba: {  	_ =	swait.ge [sflag:s29], $0x1  }
0xbb: {  	[sflag:s29] =	ssyncadd.s32 $0xFFFFFFFF  }
0xbc: {  	_ =	strace $0x9000004D  }
0xbd: {  	_ =	sfence  }
0xbe: {  	s30 =	sld [smem:$0x0];
	_ =	sdelay $0x2  }
0xbf: {  	s31 =	sshll.u32 s1, $0xD;
	s1 =	sshrl.u32 s1, $0x2  }
0xc0: {  	s3 =	sand.u32 $0x4000, s31;
	s1 =	sadd.s32 s1, s30  }
0xc1: {  	s0 =	sor.u32 s3, s0;
	s1 =	sshll.u32 s1, $0x11  }
0xc2: {  	s0 =	sor.u32 s1, s0  }
0xc3: {  	s0 =	sadd.s32 $0x8F2B, s0  }
0xc4: {  	[sflag:s0] =	ssyncadd.remote.s32 $0x1  }
0xc5: {  	_ =	sfence.sel $0xFFFF  }
0xc6: {  	[dreg:$0x0] =	wrdreg $0xFFFFFFFF;
	(pc) =	sbr.abs _section_cstart, $3  }
0xc7: {  	[dreg:$0x1] =	wrdreg $0xFFFFFFFF  }
0xc8: {  	_ =	task.clear_ibuf [dreg:s8], $0x2FFFF;
	_ =	strace $0x9FFFFFFF  }
0xc9: {  	(tm) =	ssettm $0x7FFFFFFF  }
tec
execute0_lowered:
.L_overlay_start_1:
0x0: {  	(tag) =	ssettag $0x1  }
0x1: {  	s1 =	rddreg [dreg:$0x0]  }
0x2: {  	s4 =	rddreg [dreg:$0x1]  }
0x3: {  	s5 =	rddreg [dreg:$0x2]  }
0x4: {  	s0 =	rddreg [dreg:$0x3];
	s6 =	srdreg.scid  }
0x5: {  	s3 =	simm.s32 $0x0;
	s2 =	stileid.u32;
	s10 =	simm.s32 $0x1100  }
0x6: {  	s11 =	simm.s32 $0x1900;
	s12 =	simm.s32 $0x2100;
	s13 =	simm.s32 $0x2900  }
0x7: {  	s14 =	simm.s32 $0x3100;
	s15 =	simm.s32 $0x3900;
	s16 =	simm.s32 $0x4100  }
0x8: {  	s17 =	simm.s32 $0x4900;
	s18 =	simm.s32 $0x5100;
	s19 =	simm.s32 $0x5900  }
0x9: {  	s20 =	simm.s32 $0x6100;
	s21 =	simm.s32 $0x6900;
	s22 =	simm.s32 $0x7100  }
0xa: {  	s23 =	simm.s32 $0x7900;
	s24 =	simm.s32 $0x5;
	s6 =	sand.u32 $0x1, s6  }
0xb: {  	s25 =	simm.s32 $0x3;
	s8 =	sshll.u32 s2, $0x7;
	s7 =	sshll.u32 s6, $0xB  }
0xc: {  	[smem:$0x7FF] =	sst s3;
	s6 =	ssub.s32 $0x2, s6;
	s7 =	sor.u32 s8, s7  }
0xd: {  	_ =	strace $0x80000047;
	s9 =	sshrl.u32 s6, $0x1;
	s8 =	sshll.u32 s7, $0x5  }
0xe: {  	v2 =	vlaneseq.u32;
	s7 =	sshrl.u32 s7, $0x3;
	s6 =	ssub.s32 s6, s9;
	s9 =	simm.s32 $0x900  }
0xf: {  	vm0 =	vmmov $0xffff;
	v1 =	vshrl.u32 v2, $0x3;
	s5 =	sadd.s32 s8, s5;
	s4 =	sadd.s32 s4, s7;
	s6 =	smax.u32 s6, $0x1  }
0x10: {  	v0 =	vand.u32 $0x7, v2;
	v2 =	vor.u32 $0x8, v2;
	v1 =	vmul.u32 $0x8, v1;
	s7 =	simm.s32 $0x1;
	s8 =	simm.s32 $0x100;
	s5 =	sadd.s32 $0x2400, s5  }
.LBB2_1:
0x11: {  	_ =	strace $0x80000048  }
0x12: {  	[tilespmem:s3], [sflag:$0x1] =	stream.linear.gather [hbm4b:s4+s3], $0x80, $0x200038;
	[tilespmem:$0x10100] =	vst v63  }
0x13: {  	_ =	strace $0x90000048  }
0x14: {  	_ =	strace $0x80000049  }
0x15: {  	_ =	swait.ge [sflag:s7], $0x80  }
0x16: {  	[sflag:s7] =	ssyncset.done $0x0  }
0x17: {  	[sflag:s7] =	ssyncadd.s32 $0xFFFFFF80  }
0x18: {  	_ =	strace $0x90000049  }
0x19: {  	_ =	strace $0x8000004A  }
0x1a: {  	v3 =	vld [tilespmem:$0x0];
	_ =	sdelay $0x4  }
0x1b: {  	v4 =	vshll.u32 v3, $0x1  }
0x1c: {  	v3 =	vand.u32 $0x7, v3;
	v4 =	vand.u32 $0xFFFFFFF0, v4  }
0x1d: {  	v3 =	vor.u32 v3, v4  }
0x1e: {  	v4 =	vperm.xlane v3, v0;
	_ =	sdelay $0x1  }
0x1f: {  	v3 =	vperm.xlane v3, v2;
	v4 =	vadd.s32 v1, v4;
	_ =	sdelay $0x1  }
0x20: {  	v3 =	vadd.s32 v1, v3;
	_ =	sdelay $0x2  }
0x21: {  	[tilespmem:s8], [sflag:$0x5] =	stream.indirect_vreg.gather [hbm4b:s1+s3], $0x80, v4, vm0, $0x2000b8;
	[tilespmem:$0x10100] =	vst v63  }
0x22: {  	_ = 	snop  }
0x23: {  	[tilespmem:s9], [sflag:$0x5] =	stream.indirect_vreg.gather [hbm4b:s1+s3], $0x80, v3, vm0, $0x2000b8;
	[tilespmem:$0x10100] =	vst v63  }
0x24: {  	v3 =	vld [tilespmem:$0x10];
	_ =	sdelay $0x4  }
0x25: {  	v57 =	vshll.u32 v3, $0x1  }
0x26: {  	v3 =	vand.u32 $0x7, v3;
	v4 =	vand.u32 $0xFFFFFFF0, v57  }
0x27: {  	v3 =	vor.u32 v3, v4  }
0x28: {  	v4 =	vperm.xlane v3, v0;
	_ =	sdelay $0x1  }
0x29: {  	v3 =	vperm.xlane v3, v2;
	v4 =	vadd.s32 v1, v4;
	_ =	sdelay $0x1  }
0x2a: {  	v3 =	vadd.s32 v1, v3;
	_ =	sdelay $0x2  }
0x2b: {  	[tilespmem:s10], [sflag:$0x5] =	stream.indirect_vreg.gather [hbm4b:s1+s3], $0x80, v4, vm0, $0x2000b8;
	[tilespmem:$0x10100] =	vst v63  }
0x2c: {  	_ = 	snop  }
0x2d: {  	[tilespmem:s11], [sflag:$0x5] =	stream.indirect_vreg.gather [hbm4b:s1+s3], $0x80, v3, vm0, $0x2000b8;
	[tilespmem:$0x10100] =	vst v63  }
0x2e: {  	v3 =	vld [tilespmem:$0x20];
	_ =	sdelay $0x4  }
0x2f: {  	v58 =	vshll.u32 v3, $0x1  }
0x30: {  	v3 =	vand.u32 $0x7, v3;
	v4 =	vand.u32 $0xFFFFFFF0, v58  }
0x31: {  	v3 =	vor.u32 v3, v4  }
0x32: {  	v4 =	vperm.xlane v3, v0;
	_ =	sdelay $0x1  }
0x33: {  	v3 =	vperm.xlane v3, v2;
	v4 =	vadd.s32 v1, v4;
	_ =	sdelay $0x1  }
0x34: {  	v3 =	vadd.s32 v1, v3;
	_ =	sdelay $0x2  }
0x35: {  	[tilespmem:s12], [sflag:$0x5] =	stream.indirect_vreg.gather [hbm4b:s1+s3], $0x80, v4, vm0, $0x2000b8;
	[tilespmem:$0x10100] =	vst v63  }
0x36: {  	_ = 	snop  }
0x37: {  	[tilespmem:s13], [sflag:$0x5] =	stream.indirect_vreg.gather [hbm4b:s1+s3], $0x80, v3, vm0, $0x2000b8;
	[tilespmem:$0x10100] =	vst v63  }
0x38: {  	v3 =	vld [tilespmem:$0x30];
	_ =	sdelay $0x4  }
0x39: {  	v59 =	vshll.u32 v3, $0x1  }
0x3a: {  	v3 =	vand.u32 $0x7, v3;
	v4 =	vand.u32 $0xFFFFFFF0, v59  }
0x3b: {  	v3 =	vor.u32 v3, v4  }
0x3c: {  	v4 =	vperm.xlane v3, v0;
	_ =	sdelay $0x1  }
0x3d: {  	v3 =	vperm.xlane v3, v2;
	v4 =	vadd.s32 v1, v4;
	_ =	sdelay $0x1  }
0x3e: {  	v3 =	vadd.s32 v1, v3;
	_ =	sdelay $0x2  }
0x3f: {  	[tilespmem:s14], [sflag:$0x5] =	stream.indirect_vreg.gather [hbm4b:s1+s3], $0x80, v4, vm0, $0x2000b8;
	[tilespmem:$0x10100] =	vst v63  }
0x40: {  	_ = 	snop  }
0x41: {  	[tilespmem:s15], [sflag:$0x5] =	stream.indirect_vreg.gather [hbm4b:s1+s3], $0x80, v3, vm0, $0x2000b8;
	[tilespmem:$0x10100] =	vst v63  }
0x42: {  	v3 =	vld [tilespmem:$0x40];
	_ =	sdelay $0x4  }
0x43: {  	v60 =	vshll.u32 v3, $0x1  }
0x44: {  	v3 =	vand.u32 $0x7, v3;
	v4 =	vand.u32 $0xFFFFFFF0, v60  }
0x45: {  	v3 =	vor.u32 v3, v4  }
0x46: {  	v4 =	vperm.xlane v3, v0;
	_ =	sdelay $0x1  }
0x47: {  	v3 =	vperm.xlane v3, v2;
	v4 =	vadd.s32 v1, v4;
	_ =	sdelay $0x1  }
0x48: {  	v3 =	vadd.s32 v1, v3;
	_ =	sdelay $0x2  }
0x49: {  	[tilespmem:s16], [sflag:$0x5] =	stream.indirect_vreg.gather [hbm4b:s1+s3], $0x80, v4, vm0, $0x2000b8;
	[tilespmem:$0x10100] =	vst v63  }
0x4a: {  	_ = 	snop  }
0x4b: {  	[tilespmem:s17], [sflag:$0x5] =	stream.indirect_vreg.gather [hbm4b:s1+s3], $0x80, v3, vm0, $0x2000b8;
	[tilespmem:$0x10100] =	vst v63  }
0x4c: {  	v3 =	vld [tilespmem:$0x50];
	_ =	sdelay $0x4  }
0x4d: {  	v61 =	vshll.u32 v3, $0x1  }
0x4e: {  	v3 =	vand.u32 $0x7, v3;
	v4 =	vand.u32 $0xFFFFFFF0, v61  }
0x4f: {  	v3 =	vor.u32 v3, v4  }
0x50: {  	v4 =	vperm.xlane v3, v0;
	_ =	sdelay $0x1  }
0x51: {  	v3 =	vperm.xlane v3, v2;
	v4 =	vadd.s32 v1, v4;
	_ =	sdelay $0x1  }
0x52: {  	v3 =	vadd.s32 v1, v3;
	_ =	sdelay $0x2  }
0x53: {  	[tilespmem:s18], [sflag:$0x5] =	stream.indirect_vreg.gather [hbm4b:s1+s3], $0x80, v4, vm0, $0x2000b8;
	[tilespmem:$0x10100] =	vst v63  }
0x54: {  	_ = 	snop  }
0x55: {  	[tilespmem:s19], [sflag:$0x5] =	stream.indirect_vreg.gather [hbm4b:s1+s3], $0x80, v3, vm0, $0x2000b8;
	[tilespmem:$0x10100] =	vst v63  }
0x56: {  	v3 =	vld [tilespmem:$0x60];
	_ =	sdelay $0x4  }
0x57: {  	v62 =	vshll.u32 v3, $0x1  }
0x58: {  	v3 =	vand.u32 $0x7, v3;
	v4 =	vand.u32 $0xFFFFFFF0, v62  }
0x59: {  	v3 =	vor.u32 v3, v4  }
0x5a: {  	v4 =	vperm.xlane v3, v0;
	_ =	sdelay $0x1  }
0x5b: {  	v3 =	vperm.xlane v3, v2;
	v4 =	vadd.s32 v1, v4;
	_ =	sdelay $0x1  }
0x5c: {  	v3 =	vadd.s32 v1, v3;
	_ =	sdelay $0x2  }
0x5d: {  	[tilespmem:s20], [sflag:$0x5] =	stream.indirect_vreg.gather [hbm4b:s1+s3], $0x80, v4, vm0, $0x2000b8;
	[tilespmem:$0x10100] =	vst v63  }
0x5e: {  	_ = 	snop  }
0x5f: {  	[tilespmem:s21], [sflag:$0x5] =	stream.indirect_vreg.gather [hbm4b:s1+s3], $0x80, v3, vm0, $0x2000b8;
	[tilespmem:$0x10100] =	vst v63  }
0x60: {  	v3 =	vld [tilespmem:$0x70];
	_ =	sdelay $0x4  }
0x61: {  	v63 =	vshll.u32 v3, $0x1  }
0x62: {  	v3 =	vand.u32 $0x7, v3;
	v4 =	vand.u32 $0xFFFFFFF0, v63  }
0x63: {  	v3 =	vor.u32 v3, v4  }
0x64: {  	v4 =	vperm.xlane v3, v0;
	_ =	sdelay $0x1  }
0x65: {  	v3 =	vperm.xlane v3, v2;
	v4 =	vadd.s32 v1, v4;
	_ =	sdelay $0x1  }
0x66: {  	v3 =	vadd.s32 v1, v3;
	_ =	sdelay $0x2  }
0x67: {  	[tilespmem:s22], [sflag:$0x5] =	stream.indirect_vreg.gather [hbm4b:s1+s3], $0x80, v4, vm0, $0x2000b8;
	[tilespmem:$0x10100] =	vst v63  }
0x68: {  	_ = 	snop  }
0x69: {  	[tilespmem:s23], [sflag:$0x5] =	stream.indirect_vreg.gather [hbm4b:s1+s3], $0x80, v3, vm0, $0x2000b8;
	[tilespmem:$0x10100] =	vst v63  }
0x6a: {  	_ =	swait.ge [sflag:s24], $0x8000  }
0x6b: {  	[sflag:s24] =	ssyncset.done $0x0  }
0x6c: {  	[sflag:s24] =	ssyncadd.s32 $0xFFFF8000  }
0x6d: {  	_ =	strace $0x9000004A  }
0x6e: {  	_ =	strace $0x8000004B  }
0x6f: {  	[hbm4b:s5+s3] =	stream.linear.scatter [tilespmem:s8], [sflag:$0x3], $0x8000, $0x200038;
	[tilespmem:$0x10100] =	vst v63  }
0x70: {  	p0 =	sne.s32 s6, $0x1;
	_ =	strace $0x9000004B  }
.Ltmp0:
0x71: {  	_ =	strace $0x8000004C;
	(pc) =	sbr.rel @p0 .LBB2_1-.Ltmp0, $4  }
0x72: {  	_ =	swait.ge [sflag:s25], $0x8000  }
0x73: {  	[sflag:s25] =	ssyncset.done $0x0  }
0x74: {  	[sflag:s25] =	ssyncadd.s32 $0xFFFF8000  }
0x75: {  	s6 =	sadd.s32 $0xFFFFFFFF, s6;
	_ =	strace $0x9000004C  }
0x76: {  	_ =	sfence.sel $0x180000  }
0x77: {  	[bflag:$0x0] =	sbarrier.arrive $0xFFFF  }
0x78: {  	p0 =	sne.s32 s2, $0x0;
	_ =	strace $0x90000047  }
0x79: {  	s0 =	sadd.s32 @!p0 $0x100000, s0;
	[bflag:$0x2] =	sbarrier.arrive $0xFFFF  }
0x7a: {  	[sflag:s0] =	ssyncadd.tile.s32 @!p0 $0x1;
	_ =	shalt  }
.Lfunc_end2:
_tile_overlayer_lowered:
.L_overlay_start_2:
0x7b: {  	(tag) =	ssettag $0x2  }
0x7c: {  	s0 =	rddreg [dreg:$0x0];
	s2 =	stileid.u32  }
0x7d: {  	s1 =	rddreg [dreg:$0x1];
	p0 =	sne.s32 s2, $0x0  }
0x7e: {  	s3 =	rddreg [dreg:$0x2];
	[bflag:$0x3] =	sbarrier.arrive $0xFFFF;
	s2 =	simm.s32 @!p0 $0x1C01  }
0x7f: {  	[timem:s3], [sflag:s2] =	dma.local @!p0 [hbm:s0], s1  }
0x80: {  	s0 =	simm.s32 @!p0 $0x1  }
0x81: {  	_ =	swait.ge @!p0 [sflag:s0], s1  }
0x82: {  	s1 =	ssub.s32 @!p0 $0x0, s1;
	[sflag:s0] =	ssyncset.done @!p0 $0x0  }
0x83: {  	[sflag:s0] =	ssyncadd.s32 @!p0 s1  }
0x84: {  	[bflag:$0x3] =	sbarrier.arrive $0xFFFF  }
0x85: {  	_ =	shalt  }

</sc_bundles>
